<compile_context>
chip_gen: v7x
topology: tpu7x:2x2x1
jax: 0.10.2.dev20260603
libtpu: 0.0.44.dev20260713+nightly
codegen_flags: <defaults>
</compile_context>

<pallas_src>
import jax
import jax.numpy as jnp
from jax import lax
from jax.experimental import pallas as pl
from jax.experimental.pallas import tpu as pltpu
from jax.experimental.pallas import tpu_sc as plsc

_B = 4
_S = 2048
_D = 64
_N = _B * _S
_NW = 32
_BPW = _N // _NW
_WPB = _NW // _B
_L = 16


def _embed_body(x_hbm, tok_hbm, pos_hbm, out_hbm, idx_v, rows_v, pos_v, sem):
    c = lax.axis_index("c")
    s = lax.axis_index("s")
    wid = s * 2 + c
    b = wid // _WPB
    seq0 = (wid % _WPB) * _BPW

    pltpu.sync_copy(x_hbm.at[b, pl.ds(seq0, _BPW)], idx_v)

    def fire_group(g, carry):
        iv = idx_v[pl.ds(g * _L, _L)]
        for j in range(_L):
            pltpu.async_copy(
                tok_hbm.at[iv[j] // 8, iv[j] & 7],
                rows_v.at[g * _L + j],
                sem,
            )
        return carry

    lax.fori_loop(0, _BPW // _L, fire_group, 0)

    pltpu.sync_copy(pos_hbm.at[pl.ds(seq0, _BPW)], pos_v)
    pltpu.make_async_copy(pos_hbm.at[pl.ds(0, _BPW)], rows_v, sem).wait()

    def add_row(r, carry):
        for ci in range(_D // _L):
            sl = pl.ds(ci * _L, _L)
            rows_v[r, sl] = rows_v[r, sl] + pos_v[r, sl]
        return carry

    lax.fori_loop(0, _BPW, add_row, 0)

    pltpu.sync_copy(rows_v, out_hbm.at[b, pl.ds(seq0, _BPW)])


def kernel(x, tok_table, pos_table):
    xi = x.astype(jnp.int32)
    tok3 = tok_table.reshape(tok_table.shape[0] // 8, 8, _D)
    mesh = plsc.VectorSubcoreMesh(core_axis_name="c", subcore_axis_name="s")
    out = pl.kernel(
        _embed_body,
        mesh=mesh,
        out_type=jax.ShapeDtypeStruct((_B, _S, _D), jnp.float32),
        scratch_types=[
            pltpu.VMEM((_BPW,), jnp.int32),
            pltpu.VMEM((_BPW, _D), jnp.float32),
            pltpu.VMEM((_BPW, _D), jnp.float32),
            pltpu.SemaphoreType.DMA,
        ],
    )(xi, tok3, pos_table)
    return out

# --- scband reference (transcript-rebuilt; emitter-appended) ---
"""Pipeline reference for scband-token-positional-embedding-69380901699620 (READ-ONLY COPY).

The authoritative reference and input builder live on the scoring server;
editing this copy changes nothing except your own understanding.
"""

import jax, jax.numpy as jnp
import numpy as np

VOCAB_SIZE = 100000
EMBED_DIM = 64
MAX_LEN = 2048
BATCH = 4
SEQ_LEN = 2048

def setup_inputs(seed: int = 0) -> dict:
    key = jax.random.key(seed)
    k_x, k_tok, k_pos = jax.random.split(key, 3)
    x = jax.random.randint(k_x, (BATCH, SEQ_LEN), 0, VOCAB_SIZE, dtype=jnp.int64 if jax.config.jax_enable_x64 else jnp.int32)
    tok_table = jax.random.normal(k_tok, (VOCAB_SIZE, EMBED_DIM), dtype=jnp.float32)
    pos_table = jax.random.normal(k_pos, (MAX_LEN, EMBED_DIM), dtype=jnp.float32)
    return {"x": x, "tok_table": tok_table, "pos_table": pos_table}

def reference(x, tok_table, pos_table):
    seq_len = x.shape[1]
    tok_embeddings = jnp.take(tok_table, x, axis=0)  # (B, S, D)
    positions = jnp.arange(seq_len)
    pos_embeddings = jnp.take(pos_table, positions, axis=0)  # (S, D)
    return tok_embeddings + pos_embeddings[None, :, :]

if __name__ == "__main__":
    import jax
    _d = setup_inputs()
    print(jax.jit(kernel)(*tuple(_d.values())))

</pallas_src>

<mosaic_0001>
#map = affine_map<(d0, d1) -> (0, 0)>
#map1 = affine_map<(d0, d1) -> (0, 0, 0)>
module attributes {stable_mosaic.version = 14 : i64} {
  func.func @_embed_body(%arg0: i32, %arg1: i32, %arg2: memref<4x2048xi32, #tpu.memory_space<hbm>>, %arg3: memref<12500x8x64xf32, #tpu.memory_space<hbm>>, %arg4: memref<2048x64xf32, #tpu.memory_space<hbm>>, %arg5: memref<4x2048x64xf32, #tpu.memory_space<hbm>>, %arg6: memref<256xi32, #tpu.memory_space<vmem>>, %arg7: memref<256x64xf32, #tpu.memory_space<vmem>>, %arg8: memref<256x64xf32, #tpu.memory_space<vmem>>, %arg9: memref<!tpu.dma_semaphore, #tpu.memory_space<semaphore_mem>>) attributes {dimension_semantics = [#tpu.dimension_semantics<core_parallel>, #tpu.dimension_semantics<subcore_parallel>], iteration_bounds = array<i64: 2, 16>, scalar_prefetch = 0 : i64, scratch_operands = 4 : i64, tpu.core_type = #tpu.core_type<sc_vector_subcore>, window_params = [{transform_indices = #map}, {transform_indices = #map1}, {transform_indices = #map}, {transform_indices = #map1}]} {
    %mul3A = arith.constant 2 : i32
    %mul3A_0 = arith.muli %arg1, %mul3A : i32
    %add3A = arith.addi %mul3A_0, %arg0 : i32
    %jit3A = arith.constant 8 : i32
    %div3A = arith.divsi %add3A, %jit3A : i32
    %sign3A = arith.constant 0 : i32
    %sign3A_1 = arith.cmpi sgt, %add3A, %sign3A : i32
    %sign3A_2 = arith.extui %sign3A_1 : i1 to i32
    %sign3A_3 = arith.constant 0 : i32
    %sign3A_4 = arith.cmpi slt, %add3A, %sign3A_3 : i32
    %sign3A_5 = arith.extui %sign3A_4 : i1 to i32
    %sign3A_6 = arith.subi %sign3A_2, %sign3A_5 : i32
    %sign3A_7 = arith.constant 0 : i32
    %sign3A_8 = arith.cmpi sgt, %jit3A, %sign3A_7 : i32
    %sign3A_9 = arith.extui %sign3A_8 : i1 to i32
    %sign3A_10 = arith.constant 0 : i32
    %sign3A_11 = arith.cmpi slt, %jit3A, %sign3A_10 : i32
    %sign3A_12 = arith.extui %sign3A_11 : i1 to i32
    %sign3A_13 = arith.subi %sign3A_9, %sign3A_12 : i32
    %ne3A = arith.cmpi ne, %sign3A_6, %sign3A_13 : i32
    %rem3A = arith.remsi %add3A, %jit3A : i32
    %ne3A_14 = arith.constant 0 : i32
    %ne3A_15 = arith.cmpi ne, %rem3A, %ne3A_14 : i32
    %and3A = arith.andi %ne3A, %ne3A_15 : i1
    %sub3A = arith.constant 1 : i32
    %sub3A_16 = arith.subi %div3A, %sub3A : i32
    %select_n3A = arith.select %and3A, %sub3A_16, %div3A : i32
    %jit3A_17 = arith.constant 8 : i32
    %eq3A = arith.constant 0 : i32
    %eq3A_18 = arith.cmpi eq, %jit3A_17, %eq3A : i32
    %jit3A_19 = arith.constant 1 : i32
    %select_n3A_20 = arith.select %eq3A_18, %jit3A_19, %jit3A_17 : i32
    %rem3A_21 = arith.remsi %add3A, %select_n3A_20 : i32
    %ne3A_22 = arith.constant 0 : i32
    %ne3A_23 = arith.cmpi ne, %rem3A_21, %ne3A_22 : i32
    %lt3A = arith.constant 0 : i32
    %lt3A_24 = arith.cmpi slt, %rem3A_21, %lt3A : i32
    %lt3A_25 = arith.constant 0 : i32
    %lt3A_26 = arith.cmpi slt, %select_n3A_20, %lt3A_25 : i32
    %ne3A_27 = arith.xori %lt3A_24, %lt3A_26 : i1
    %and3A_28 = arith.andi %ne3A_27, %ne3A_23 : i1
    %add3A_29 = arith.addi %rem3A_21, %select_n3A_20 : i32
    %select_n3A_30 = arith.select %and3A_28, %add3A_29, %rem3A_21 : i32
    %mul3A_31 = arith.constant 256 : i32
    %mul3A_32 = arith.muli %select_n3A_30, %mul3A_31 : i32
    "tpu.region"() ({
      %run_scoped3A = tpu.sem_alloc : memref<!tpu.dma_semaphore, #tpu.memory_space<semaphore_mem>>
      %dma_start3A = tpu.memref_slice %arg2[%select_n3A, %mul3A_32] : memref<4x2048xi32, #tpu.memory_space<hbm>> -> memref<1x256xi32, #tpu.memory_space<hbm>>
      %dma_start3A_49 = tpu.memref_squeeze %dma_start3A : memref<1x256xi32, #tpu.memory_space<hbm>> -> memref<256xi32, #tpu.memory_space<hbm>>
      %dma_start3A_50 = tpu.memref_slice %arg2[%select_n3A, %mul3A_32] : memref<4x2048xi32, #tpu.memory_space<hbm>> -> memref<1x256xi32, #tpu.memory_space<hbm>>
      %dma_start3A_51 = tpu.memref_squeeze %dma_start3A_50 : memref<1x256xi32, #tpu.memory_space<hbm>> -> memref<256xi32, #tpu.memory_space<hbm>>
      tpu.enqueue_dma source(%dma_start3A_51 : memref<256xi32, #tpu.memory_space<hbm>>) target(%arg6 : memref<256xi32, #tpu.memory_space<vmem>>) target_semaphore(%run_scoped3A : memref<!tpu.dma_semaphore, #tpu.memory_space<semaphore_mem>>)
      %dma_wait3A_52 = tpu.memref_slice %arg2[%select_n3A, %mul3A_32] : memref<4x2048xi32, #tpu.memory_space<hbm>> -> memref<1x256xi32, #tpu.memory_space<hbm>>
      %dma_wait3A_53 = tpu.memref_squeeze %dma_wait3A_52 : memref<1x256xi32, #tpu.memory_space<hbm>> -> memref<256xi32, #tpu.memory_space<hbm>>
      %dma_wait3A_54 = tpu.memref_slice %arg2[%select_n3A, %mul3A_32] : memref<4x2048xi32, #tpu.memory_space<hbm>> -> memref<1x256xi32, #tpu.memory_space<hbm>>
      %dma_wait3A_55 = tpu.memref_squeeze %dma_wait3A_54 : memref<1x256xi32, #tpu.memory_space<hbm>> -> memref<256xi32, #tpu.memory_space<hbm>>
      tpu.wait_dma2 semaphore(%run_scoped3A : memref<!tpu.dma_semaphore, #tpu.memory_space<semaphore_mem>>) src(%dma_wait3A_55 : memref<256xi32, #tpu.memory_space<hbm>>) dst(%arg6 : memref<256xi32, #tpu.memory_space<vmem>>)
      tpu.yield
    }) : () -> ()
    %scan3A = arith.constant 0 : i32
    %scan3A_33 = arith.constant 0 : i32
    %scan3A_34 = arith.constant 16 : i32
    %scan3A_35 = arith.addi %scan3A_33, %scan3A_34 : i32
    %scan3A_36 = arith.constant 1 : i32
    scf.for %scan3A_49 = %scan3A_33 to %scan3A_35 step %scan3A_36  : i32 {
      %mul3A_50 = arith.constant 16 : i32
      %mul3A_51 = arith.muli %scan3A_49, %mul3A_50 : i32
      %get3A = arith.index_cast %mul3A_51 : i32 to index
      %get3A_52 = tpu.vector_load %arg6[%get3A] {strides = array<i32>} : memref<256xi32, #tpu.memory_space<vmem>>, vector<16xi32>,
      %get3A_53 = vector.shape_cast %get3A_52 : vector<16xi32> to vector<16xi32>
      %slice3A = vector.extract_strided_slice %get3A_53 {offsets = [0], sizes = [1], strides = [1]} : vector<16xi32> to vector<1xi32>
      %squeeze3A = vector.extract %slice3A[0] : i32 from vector<1xi32>
      %jit3A_54 = arith.constant 8 : i32
      %div3A_55 = arith.divsi %squeeze3A, %jit3A_54 : i32
      %sign3A_56 = arith.constant 0 : i32
      %sign3A_57 = arith.cmpi sgt, %squeeze3A, %sign3A_56 : i32
      %sign3A_58 = arith.extui %sign3A_57 : i1 to i32
      %sign3A_59 = arith.constant 0 : i32
      %sign3A_60 = arith.cmpi slt, %squeeze3A, %sign3A_59 : i32
      %sign3A_61 = arith.extui %sign3A_60 : i1 to i32
      %sign3A_62 = arith.subi %sign3A_58, %sign3A_61 : i32
      %sign3A_63 = arith.constant 0 : i32
      %sign3A_64 = arith.cmpi sgt, %jit3A_54, %sign3A_63 : i32
      %sign3A_65 = arith.extui %sign3A_64 : i1 to i32
      %sign3A_66 = arith.constant 0 : i32
      %sign3A_67 = arith.cmpi slt, %jit3A_54, %sign3A_66 : i32
      %sign3A_68 = arith.extui %sign3A_67 : i1 to i32
      %sign3A_69 = arith.subi %sign3A_65, %sign3A_68 : i32
      %ne3A_70 = arith.cmpi ne, %sign3A_62, %sign3A_69 : i32
      %rem3A_71 = arith.remsi %squeeze3A, %jit3A_54 : i32
      %ne3A_72 = arith.constant 0 : i32
      %ne3A_73 = arith.cmpi ne, %rem3A_71, %ne3A_72 : i32
      %and3A_74 = arith.andi %ne3A_70, %ne3A_73 : i1
      %sub3A_75 = arith.constant 1 : i32
      %sub3A_76 = arith.subi %div3A_55, %sub3A_75 : i32
      %select_n3A_77 = arith.select %and3A_74, %sub3A_76, %div3A_55 : i32
      %slice3A_78 = vector.extract_strided_slice %get3A_53 {offsets = [0], sizes = [1], strides = [1]} : vector<16xi32> to vector<1xi32>
      %squeeze3A_79 = vector.extract %slice3A_78[0] : i32 from vector<1xi32>
      %and3A_80 = arith.constant 7 : i32
      %and3A_81 = arith.andi %squeeze3A_79, %and3A_80 : i32
      %mul3A_82 = arith.constant 16 : i32
      %mul3A_83 = arith.muli %scan3A_49, %mul3A_82 : i32
      %add3A_84 = arith.constant 0 : i32
      %add3A_85 = arith.addi %mul3A_83, %add3A_84 : i32
      %dma_start3A = arith.constant 0 : i32
      %dma_start3A_86 = tpu.memref_slice %arg7[%add3A_85, %dma_start3A] : memref<256x64xf32, #tpu.memory_space<vmem>> -> memref<1x64xf32, #tpu.memory_space<vmem>>
      %dma_start3A_87 = tpu.memref_squeeze %dma_start3A_86 : memref<1x64xf32, #tpu.memory_space<vmem>> -> memref<64xf32, #tpu.memory_space<vmem>>
      %dma_start3A_88 = arith.constant 0 : i32
      %dma_start3A_89 = tpu.memref_slice %arg3[%select_n3A_77, %and3A_81, %dma_start3A_88] : memref<12500x8x64xf32, #tpu.memory_space<hbm>> -> memref<1x1x64xf32, #tpu.memory_space<hbm>>
      %dma_start3A_90 = tpu.memref_squeeze %dma_start3A_89 : memref<1x1x64xf32, #tpu.memory_space<hbm>> -> memref<64xf32, #tpu.memory_space<hbm>>
      %dma_start3A_91 = arith.constant 0 : i32
      %dma_start3A_92 = tpu.memref_slice %arg7[%add3A_85, %dma_start3A_91] : memref<256x64xf32, #tpu.memory_space<vmem>> -> memref<1x64xf32, #tpu.memory_space<vmem>>
      %dma_start3A_93 = tpu.memref_squeeze %dma_start3A_92 : memref<1x64xf32, #tpu.memory_space<vmem>> -> memref<64xf32, #tpu.memory_space<vmem>>
      %dma_start3A_94 = arith.constant 0 : i32
      %dma_start3A_95 = tpu.memref_slice %arg3[%select_n3A_77, %and3A_81, %dma_start3A_94] : memref<12500x8x64xf32, #tpu.memory_space<hbm>> -> memref<1x1x64xf32, #tpu.memory_space<hbm>>
      %dma_start3A_96 = tpu.memref_squeeze %dma_start3A_95 : memref<1x1x64xf32, #tpu.memory_space<hbm>> -> memref<64xf32, #tpu.memory_space<hbm>>
      tpu.enqueue_dma source(%dma_start3A_96 : memref<64xf32, #tpu.memory_space<hbm>>) target(%dma_start3A_93 : memref<64xf32, #tpu.memory_space<vmem>>) target_semaphore(%arg9 : memref<!tpu.dma_semaphore, #tpu.memory_space<semaphore_mem>>)
      %slice3A_97 = vector.extract_strided_slice %get3A_53 {offsets = [1], sizes = [1], strides = [1]} : vector<16xi32> to vector<1xi32>
      %squeeze3A_98 = vector.extract %slice3A_97[0] : i32 from vector<1xi32>
      %jit3A_99 = arith.constant 8 : i32
      %div3A_100 = arith.divsi %squeeze3A_98, %jit3A_99 : i32
      %sign3A_101 = arith.constant 0 : i32
      %sign3A_102 = arith.cmpi sgt, %squeeze3A_98, %sign3A_101 : i32
      %sign3A_103 = arith.extui %sign3A_102 : i1 to i32
      %sign3A_104 = arith.constant 0 : i32
      %sign3A_105 = arith.cmpi slt, %squeeze3A_98, %sign3A_104 : i32
      %sign3A_106 = arith.extui %sign3A_105 : i1 to i32
      %sign3A_107 = arith.subi %sign3A_103, %sign3A_106 : i32
      %sign3A_108 = arith.constant 0 : i32
      %sign3A_109 = arith.cmpi sgt, %jit3A_99, %sign3A_108 : i32
      %sign3A_110 = arith.extui %sign3A_109 : i1 to i32
      %sign3A_111 = arith.constant 0 : i32
      %sign3A_112 = arith.cmpi slt, %jit3A_99, %sign3A_111 : i32
      %sign3A_113 = arith.extui %sign3A_112 : i1 to i32
      %sign3A_114 = arith.subi %sign3A_110, %sign3A_113 : i32
      %ne3A_115 = arith.cmpi ne, %sign3A_107, %sign3A_114 : i32
      %rem3A_116 = arith.remsi %squeeze3A_98, %jit3A_99 : i32
      %ne3A_117 = arith.constant 0 : i32
      %ne3A_118 = arith.cmpi ne, %rem3A_116, %ne3A_117 : i32
      %and3A_119 = arith.andi %ne3A_115, %ne3A_118 : i1
      %sub3A_120 = arith.constant 1 : i32
      %sub3A_121 = arith.subi %div3A_100, %sub3A_120 : i32
      %select_n3A_122 = arith.select %and3A_119, %sub3A_121, %div3A_100 : i32
      %slice3A_123 = vector.extract_strided_slice %get3A_53 {offsets = [1], sizes = [1], strides = [1]} : vector<16xi32> to vector<1xi32>
      %squeeze3A_124 = vector.extract %slice3A_123[0] : i32 from vector<1xi32>
      %and3A_125 = arith.constant 7 : i32
      %and3A_126 = arith.andi %squeeze3A_124, %and3A_125 : i32
      %mul3A_127 = arith.constant 16 : i32
      %mul3A_128 = arith.muli %scan3A_49, %mul3A_127 : i32
      %add3A_129 = arith.constant 1 : i32
      %add3A_130 = arith.addi %mul3A_128, %add3A_129 : i32
      %dma_start3A_131 = arith.constant 0 : i32
      %dma_start3A_132 = tpu.memref_slice %arg7[%add3A_130, %dma_start3A_131] : memref<256x64xf32, #tpu.memory_space<vmem>> -> memref<1x64xf32, #tpu.memory_space<vmem>>
      %dma_start3A_133 = tpu.memref_squeeze %dma_start3A_132 : memref<1x64xf32, #tpu.memory_space<vmem>> -> memref<64xf32, #tpu.memory_space<vmem>>
      %dma_start3A_134 = arith.constant 0 : i32
      %dma_start3A_135 = tpu.memref_slice %arg3[%select_n3A_122, %and3A_126, %dma_start3A_134] : memref<12500x8x64xf32, #tpu.memory_space<hbm>> -> memref<1x1x64xf32, #tpu.memory_space<hbm>>
      %dma_start3A_136 = tpu.memref_squeeze %dma_start3A_135 : memref<1x1x64xf32, #tpu.memory_space<hbm>> -> memref<64xf32, #tpu.memory_space<hbm>>
      %dma_start3A_137 = arith.constant 0 : i32
      %dma_start3A_138 = tpu.memref_slice %arg7[%add3A_130, %dma_start3A_137] : memref<256x64xf32, #tpu.memory_space<vmem>> -> memref<1x64xf32, #tpu.memory_space<vmem>>
      %dma_start3A_139 = tpu.memref_squeeze %dma_start3A_138 : memref<1x64xf32, #tpu.memory_space<vmem>> -> memref<64xf32, #tpu.memory_space<vmem>>
      %dma_start3A_140 = arith.constant 0 : i32
      %dma_start3A_141 = tpu.memref_slice %arg3[%select_n3A_122, %and3A_126, %dma_start3A_140] : memref<12500x8x64xf32, #tpu.memory_space<hbm>> -> memref<1x1x64xf32, #tpu.memory_space<hbm>>
      %dma_start3A_142 = tpu.memref_squeeze %dma_start3A_141 : memref<1x1x64xf32, #tpu.memory_space<hbm>> -> memref<64xf32, #tpu.memory_space<hbm>>
      tpu.enqueue_dma source(%dma_start3A_142 : memref<64xf32, #tpu.memory_space<hbm>>) target(%dma_start3A_139 : memref<64xf32, #tpu.memory_space<vmem>>) target_semaphore(%arg9 : memref<!tpu.dma_semaphore, #tpu.memory_space<semaphore_mem>>)
      %slice3A_143 = vector.extract_strided_slice %get3A_53 {offsets = [2], sizes = [1], strides = [1]} : vector<16xi32> to vector<1xi32>
      %squeeze3A_144 = vector.extract %slice3A_143[0] : i32 from vector<1xi32>
      %jit3A_145 = arith.constant 8 : i32
      %div3A_146 = arith.divsi %squeeze3A_144, %jit3A_145 : i32
      %sign3A_147 = arith.constant 0 : i32
      %sign3A_148 = arith.cmpi sgt, %squeeze3A_144, %sign3A_147 : i32
      %sign3A_149 = arith.extui %sign3A_148 : i1 to i32
      %sign3A_150 = arith.constant 0 : i32
      %sign3A_151 = arith.cmpi slt, %squeeze3A_144, %sign3A_150 : i32
      %sign3A_152 = arith.extui %sign3A_151 : i1 to i32
      %sign3A_153 = arith.subi %sign3A_149, %sign3A_152 : i32
      %sign3A_154 = arith.constant 0 : i32
      %sign3A_155 = arith.cmpi sgt, %jit3A_145, %sign3A_154 : i32
      %sign3A_156 = arith.extui %sign3A_155 : i1 to i32
      %sign3A_157 = arith.constant 0 : i32
      %sign3A_158 = arith.cmpi slt, %jit3A_145, %sign3A_157 : i32
      %sign3A_159 = arith.extui %sign3A_158 : i1 to i32
      %sign3A_160 = arith.subi %sign3A_156, %sign3A_159 : i32
      %ne3A_161 = arith.cmpi ne, %sign3A_153, %sign3A_160 : i32
      %rem3A_162 = arith.remsi %squeeze3A_144, %jit3A_145 : i32
      %ne3A_163 = arith.constant 0 : i32
      %ne3A_164 = arith.cmpi ne, %rem3A_162, %ne3A_163 : i32
      %and3A_165 = arith.andi %ne3A_161, %ne3A_164 : i1
      %sub3A_166 = arith.constant 1 : i32
      %sub3A_167 = arith.subi %div3A_146, %sub3A_166 : i32
      %select_n3A_168 = arith.select %and3A_165, %sub3A_167, %div3A_146 : i32
      %slice3A_169 = vector.extract_strided_slice %get3A_53 {offsets = [2], sizes = [1], strides = [1]} : vector<16xi32> to vector<1xi32>
      %squeeze3A_170 = vector.extract %slice3A_169[0] : i32 from vector<1xi32>
      %and3A_171 = arith.constant 7 : i32
      %and3A_172 = arith.andi %squeeze3A_170, %and3A_171 : i32
      %mul3A_173 = arith.constant 16 : i32
      %mul3A_174 = arith.muli %scan3A_49, %mul3A_173 : i32
      %add3A_175 = arith.constant 2 : i32
      %add3A_176 = arith.addi %mul3A_174, %add3A_175 : i32
      %dma_start3A_177 = arith.constant 0 : i32
      %dma_start3A_178 = tpu.memref_slice %arg7[%add3A_176, %dma_start3A_177] : memref<256x64xf32, #tpu.memory_space<vmem>> -> memref<1x64xf32, #tpu.memory_space<vmem>>
      %dma_start3A_179 = tpu.memref_squeeze %dma_start3A_178 : memref<1x64xf32, #tpu.memory_space<vmem>> -> memref<64xf32, #tpu.memory_space<vmem>>
      %dma_start3A_180 = arith.constant 0 : i32
      %dma_start3A_181 = tpu.memref_slice %arg3[%select_n3A_168, %and3A_172, %dma_start3A_180] : memref<12500x8x64xf32, #tpu.memory_space<hbm>> -> memref<1x1x64xf32, #tpu.memory_space<hbm>>
      %dma_start3A_182 = tpu.memref_squeeze %dma_start3A_181 : memref<1x1x64xf32, #tpu.memory_space<hbm>> -> memref<64xf32, #tpu.memory_space<hbm>>
      %dma_start3A_183 = arith.constant 0 : i32
      %dma_start3A_184 = tpu.memref_slice %arg7[%add3A_176, %dma_start3A_183] : memref<256x64xf32, #tpu.memory_space<vmem>> -> memref<1x64xf32, #tpu.memory_space<vmem>>
      %dma_start3A_185 = tpu.memref_squeeze %dma_start3A_184 : memref<1x64xf32, #tpu.memory_space<vmem>> -> memref<64xf32, #tpu.memory_space<vmem>>
      %dma_start3A_186 = arith.constant 0 : i32
      %dma_start3A_187 = tpu.memref_slice %arg3[%select_n3A_168, %and3A_172, %dma_start3A_186] : memref<12500x8x64xf32, #tpu.memory_space<hbm>> -> memref<1x1x64xf32, #tpu.memory_space<hbm>>
      %dma_start3A_188 = tpu.memref_squeeze %dma_start3A_187 : memref<1x1x64xf32, #tpu.memory_space<hbm>> -> memref<64xf32, #tpu.memory_space<hbm>>
      tpu.enqueue_dma source(%dma_start3A_188 : memref<64xf32, #tpu.memory_space<hbm>>) target(%dma_start3A_185 : memref<64xf32, #tpu.memory_space<vmem>>) target_semaphore(%arg9 : memref<!tpu.dma_semaphore, #tpu.memory_space<semaphore_mem>>)
      %slice3A_189 = vector.extract_strided_slice %get3A_53 {offsets = [3], sizes = [1], strides = [1]} : vector<16xi32> to vector<1xi32>
      %squeeze3A_190 = vector.extract %slice3A_189[0] : i32 from vector<1xi32>
      %jit3A_191 = arith.constant 8 : i32
      %div3A_192 = arith.divsi %squeeze3A_190, %jit3A_191 : i32
      %sign3A_193 = arith.constant 0 : i32
      %sign3A_194 = arith.cmpi sgt, %squeeze3A_190, %sign3A_193 : i32
      %sign3A_195 = arith.extui %sign3A_194 : i1 to i32
      %sign3A_196 = arith.constant 0 : i32
      %sign3A_197 = arith.cmpi slt, %squeeze3A_190, %sign3A_196 : i32
      %sign3A_198 = arith.extui %sign3A_197 : i1 to i32
      %sign3A_199 = arith.subi %sign3A_195, %sign3A_198 : i32
      %sign3A_200 = arith.constant 0 : i32
      %sign3A_201 = arith.cmpi sgt, %jit3A_191, %sign3A_200 : i32
      %sign3A_202 = arith.extui %sign3A_201 : i1 to i32
      %sign3A_203 = arith.constant 0 : i32
      %sign3A_204 = arith.cmpi slt, %jit3A_191, %sign3A_203 : i32
      %sign3A_205 = arith.extui %sign3A_204 : i1 to i32
      %sign3A_206 = arith.subi %sign3A_202, %sign3A_205 : i32
      %ne3A_207 = arith.cmpi ne, %sign3A_199, %sign3A_206 : i32
      %rem3A_208 = arith.remsi %squeeze3A_190, %jit3A_191 : i32
      %ne3A_209 = arith.constant 0 : i32
      %ne3A_210 = arith.cmpi ne, %rem3A_208, %ne3A_209 : i32
      %and3A_211 = arith.andi %ne3A_207, %ne3A_210 : i1
      %sub3A_212 = arith.constant 1 : i32
      %sub3A_213 = arith.subi %div3A_192, %sub3A_212 : i32
      %select_n3A_214 = arith.select %and3A_211, %sub3A_213, %div3A_192 : i32
      %slice3A_215 = vector.extract_strided_slice %get3A_53 {offsets = [3], sizes = [1], strides = [1]} : vector<16xi32> to vector<1xi32>
      %squeeze3A_216 = vector.extract %slice3A_215[0] : i32 from vector<1xi32>
      %and3A_217 = arith.constant 7 : i32
      %and3A_218 = arith.andi %squeeze3A_216, %and3A_217 : i32
      %mul3A_219 = arith.constant 16 : i32
      %mul3A_220 = arith.muli %scan3A_49, %mul3A_219 : i32
      %add3A_221 = arith.constant 3 : i32
      %add3A_222 = arith.addi %mul3A_220, %add3A_221 : i32
      %dma_start3A_223 = arith.constant 0 : i32
      %dma_start3A_224 = tpu.memref_slice %arg7[%add3A_222, %dma_start3A_223] : memref<256x64xf32, #tpu.memory_space<vmem>> -> memref<1x64xf32, #tpu.memory_space<vmem>>
      %dma_start3A_225 = tpu.memref_squeeze %dma_start3A_224 : memref<1x64xf32, #tpu.memory_space<vmem>> -> memref<64xf32, #tpu.memory_space<vmem>>
      %dma_start3A_226 = arith.constant 0 : i32
      %dma_start3A_227 = tpu.memref_slice %arg3[%select_n3A_214, %and3A_218, %dma_start3A_226] : memref<12500x8x64xf32, #tpu.memory_space<hbm>> -> memref<1x1x64xf32, #tpu.memory_space<hbm>>
      %dma_start3A_228 = tpu.memref_squeeze %dma_start3A_227 : memref<1x1x64xf32, #tpu.memory_space<hbm>> -> memref<64xf32, #tpu.memory_space<hbm>>
      %dma_start3A_229 = arith.constant 0 : i32
      %dma_start3A_230 = tpu.memref_slice %arg7[%add3A_222, %dma_start3A_229] : memref<256x64xf32, #tpu.memory_space<vmem>> -> memref<1x64xf32, #tpu.memory_space<vmem>>
      %dma_start3A_231 = tpu.memref_squeeze %dma_start3A_230 : memref<1x64xf32, #tpu.memory_space<vmem>> -> memref<64xf32, #tpu.memory_space<vmem>>
      %dma_start3A_232 = arith.constant 0 : i32
      %dma_start3A_233 = tpu.memref_slice %arg3[%select_n3A_214, %and3A_218, %dma_start3A_232] : memref<12500x8x64xf32, #tpu.memory_space<hbm>> -> memref<1x1x64xf32, #tpu.memory_space<hbm>>
      %dma_start3A_234 = tpu.memref_squeeze %dma_start3A_233 : memref<1x1x64xf32, #tpu.memory_space<hbm>> -> memref<64xf32, #tpu.memory_space<hbm>>
      tpu.enqueue_dma source(%dma_start3A_234 : memref<64xf32, #tpu.memory_space<hbm>>) target(%dma_start3A_231 : memref<64xf32, #tpu.memory_space<vmem>>) target_semaphore(%arg9 : memref<!tpu.dma_semaphore, #tpu.memory_space<semaphore_mem>>)
      %slice3A_235 = vector.extract_strided_slice %get3A_53 {offsets = [4], sizes = [1], strides = [1]} : vector<16xi32> to vector<1xi32>
      %squeeze3A_236 = vector.extract %slice3A_235[0] : i32 from vector<1xi32>
      %jit3A_237 = arith.constant 8 : i32
      %div3A_238 = arith.divsi %squeeze3A_236, %jit3A_237 : i32
      %sign3A_239 = arith.constant 0 : i32
      %sign3A_240 = arith.cmpi sgt, %squeeze3A_236, %sign3A_239 : i32
      %sign3A_241 = arith.extui %sign3A_240 : i1 to i32
      %sign3A_242 = arith.constant 0 : i32
      %sign3A_243 = arith.cmpi slt, %squeeze3A_236, %sign3A_242 : i32
      %sign3A_244 = arith.extui %sign3A_243 : i1 to i32
      %sign3A_245 = arith.subi %sign3A_241, %sign3A_244 : i32
      %sign3A_246 = arith.constant 0 : i32
      %sign3A_247 = arith.cmpi sgt, %jit3A_237, %sign3A_246 : i32
      %sign3A_248 = arith.extui %sign3A_247 : i1 to i32
      %sign3A_249 = arith.constant 0 : i32
      %sign3A_250 = arith.cmpi slt, %jit3A_237, %sign3A_249 : i32
      %sign3A_251 = arith.extui %sign3A_250 : i1 to i32
      %sign3A_252 = arith.subi %sign3A_248, %sign3A_251 : i32
      %ne3A_253 = arith.cmpi ne, %sign3A_245, %sign3A_252 : i32
      %rem3A_254 = arith.remsi %squeeze3A_236, %jit3A_237 : i32
      %ne3A_255 = arith.constant 0 : i32
      %ne3A_256 = arith.cmpi ne, %rem3A_254, %ne3A_255 : i32
      %and3A_257 = arith.andi %ne3A_253, %ne3A_256 : i1
      %sub3A_258 = arith.constant 1 : i32
      %sub3A_259 = arith.subi %div3A_238, %sub3A_258 : i32
      %select_n3A_260 = arith.select %and3A_257, %sub3A_259, %div3A_238 : i32
      %slice3A_261 = vector.extract_strided_slice %get3A_53 {offsets = [4], sizes = [1], strides = [1]} : vector<16xi32> to vector<1xi32>
      %squeeze3A_262 = vector.extract %slice3A_261[0] : i32 from vector<1xi32>
      %and3A_263 = arith.constant 7 : i32
      %and3A_264 = arith.andi %squeeze3A_262, %and3A_263 : i32
      %mul3A_265 = arith.constant 16 : i32
      %mul3A_266 = arith.muli %scan3A_49, %mul3A_265 : i32
      %add3A_267 = arith.constant 4 : i32
      %add3A_268 = arith.addi %mul3A_266, %add3A_267 : i32
      %dma_start3A_269 = arith.constant 0 : i32
      %dma_start3A_270 = tpu.memref_slice %arg7[%add3A_268, %dma_start3A_269] : memref<256x64xf32, #tpu.memory_space<vmem>> -> memref<1x64xf32, #tpu.memory_space<vmem>>
      %dma_start3A_271 = tpu.memref_squeeze %dma_start3A_270 : memref<1x64xf32, #tpu.memory_space<vmem>> -> memref<64xf32, #tpu.memory_space<vmem>>
      %dma_start3A_272 = arith.constant 0 : i32
      %dma_start3A_273 = tpu.memref_slice %arg3[%select_n3A_260, %and3A_264, %dma_start3A_272] : memref<12500x8x64xf32, #tpu.memory_space<hbm>> -> memref<1x1x64xf32, #tpu.memory_space<hbm>>
      %dma_start3A_274 = tpu.memref_squeeze %dma_start3A_273 : memref<1x1x64xf32, #tpu.memory_space<hbm>> -> memref<64xf32, #tpu.memory_space<hbm>>
      %dma_start3A_275 = arith.constant 0 : i32
      %dma_start3A_276 = tpu.memref_slice %arg7[%add3A_268, %dma_start3A_275] : memref<256x64xf32, #tpu.memory_space<vmem>> -> memref<1x64xf32, #tpu.memory_space<vmem>>
      %dma_start3A_277 = tpu.memref_squeeze %dma_start3A_276 : memref<1x64xf32, #tpu.memory_space<vmem>> -> memref<64xf32, #tpu.memory_space<vmem>>
      %dma_start3A_278 = arith.constant 0 : i32
      %dma_start3A_279 = tpu.memref_slice %arg3[%select_n3A_260, %and3A_264, %dma_start3A_278] : memref<12500x8x64xf32, #tpu.memory_space<hbm>> -> memref<1x1x64xf32, #tpu.memory_space<hbm>>
      %dma_start3A_280 = tpu.memref_squeeze %dma_start3A_279 : memref<1x1x64xf32, #tpu.memory_space<hbm>> -> memref<64xf32, #tpu.memory_space<hbm>>
      tpu.enqueue_dma source(%dma_start3A_280 : memref<64xf32, #tpu.memory_space<hbm>>) target(%dma_start3A_277 : memref<64xf32, #tpu.memory_space<vmem>>) target_semaphore(%arg9 : memref<!tpu.dma_semaphore, #tpu.memory_space<semaphore_mem>>)
      %slice3A_281 = vector.extract_strided_slice %get3A_53 {offsets = [5], sizes = [1], strides = [1]} : vector<16xi32> to vector<1xi32>
      %squeeze3A_282 = vector.extract %slice3A_281[0] : i32 from vector<1xi32>
      %jit3A_283 = arith.constant 8 : i32
      %div3A_284 = arith.divsi %squeeze3A_282, %jit3A_283 : i32
      %sign3A_285 = arith.constant 0 : i32
      %sign3A_286 = arith.cmpi sgt, %squeeze3A_282, %sign3A_285 : i32
      %sign3A_287 = arith.extui %sign3A_286 : i1 to i32
      %sign3A_288 = arith.constant 0 : i32
      %sign3A_289 = arith.cmpi slt, %squeeze3A_282, %sign3A_288 : i32
      %sign3A_290 = arith.extui %sign3A_289 : i1 to i32
      %sign3A_291 = arith.subi %sign3A_287, %sign3A_290 : i32
      %sign3A_292 = arith.constant 0 : i32
      %sign3A_293 = arith.cmpi sgt, %jit3A_283, %sign3A_292 : i32
      %sign3A_294 = arith.extui %sign3A_293 : i1 to i32
      %sign3A_295 = arith.constant 0 : i32
      %sign3A_296 = arith.cmpi slt, %jit3A_283, %sign3A_295 : i32
      %sign3A_297 = arith.extui %sign3A_296 : i1 to i32
      %sign3A_298 = arith.subi %sign3A_294, %sign3A_297 : i32
      %ne3A_299 = arith.cmpi ne, %sign3A_291, %sign3A_298 : i32
      %rem3A_300 = arith.remsi %squeeze3A_282, %jit3A_283 : i32
      %ne3A_301 = arith.constant 0 : i32
      %ne3A_302 = arith.cmpi ne, %rem3A_300, %ne3A_301 : i32
      %and3A_303 = arith.andi %ne3A_299, %ne3A_302 : i1
      %sub3A_304 = arith.constant 1 : i32
      %sub3A_305 = arith.subi %div3A_284, %sub3A_304 : i32
      %select_n3A_306 = arith.select %and3A_303, %sub3A_305, %div3A_284 : i32
      %slice3A_307 = vector.extract_strided_slice %get3A_53 {offsets = [5], sizes = [1], strides = [1]} : vector<16xi32> to vector<1xi32>
      %squeeze3A_308 = vector.extract %slice3A_307[0] : i32 from vector<1xi32>
      %and3A_309 = arith.constant 7 : i32
      %and3A_310 = arith.andi %squeeze3A_308, %and3A_309 : i32
      %mul3A_311 = arith.constant 16 : i32
      %mul3A_312 = arith.muli %scan3A_49, %mul3A_311 : i32
      %add3A_313 = arith.constant 5 : i32
      %add3A_314 = arith.addi %mul3A_312, %add3A_313 : i32
      %dma_start3A_315 = arith.constant 0 : i32
      %dma_start3A_316 = tpu.memref_slice %arg7[%add3A_314, %dma_start3A_315] : memref<256x64xf32, #tpu.memory_space<vmem>> -> memref<1x64xf32, #tpu.memory_space<vmem>>
      %dma_start3A_317 = tpu.memref_squeeze %dma_start3A_316 : memref<1x64xf32, #tpu.memory_space<vmem>> -> memref<64xf32, #tpu.memory_space<vmem>>
      %dma_start3A_318 = arith.constant 0 : i32
      %dma_start3A_319 = tpu.memref_slice %arg3[%select_n3A_306, %and3A_310, %dma_start3A_318] : memref<12500x8x64xf32, #tpu.memory_space<hbm>> -> memref<1x1x64xf32, #tpu.memory_space<hbm>>
      %dma_start3A_320 = tpu.memref_squeeze %dma_start3A_319 : memref<1x1x64xf32, #tpu.memory_space<hbm>> -> memref<64xf32, #tpu.memory_space<hbm>>
      %dma_start3A_321 = arith.constant 0 : i32
      %dma_start3A_322 = tpu.memref_slice %arg7[%add3A_314, %dma_start3A_321] : memref<256x64xf32, #tpu.memory_space<vmem>> -> memref<1x64xf32, #tpu.memory_space<vmem>>
      %dma_start3A_323 = tpu.memref_squeeze %dma_start3A_322 : memref<1x64xf32, #tpu.memory_space<vmem>> -> memref<64xf32, #tpu.memory_space<vmem>>
      %dma_start3A_324 = arith.constant 0 : i32
      %dma_start3A_325 = tpu.memref_slice %arg3[%select_n3A_306, %and3A_310, %dma_start3A_324] : memref<12500x8x64xf32, #tpu.memory_space<hbm>> -> memref<1x1x64xf32, #tpu.memory_space<hbm>>
      %dma_start3A_326 = tpu.memref_squeeze %dma_start3A_325 : memref<1x1x64xf32, #tpu.memory_space<hbm>> -> memref<64xf32, #tpu.memory_space<hbm>>
      tpu.enqueue_dma source(%dma_start3A_326 : memref<64xf32, #tpu.memory_space<hbm>>) target(%dma_start3A_323 : memref<64xf32, #tpu.memory_space<vmem>>) target_semaphore(%arg9 : memref<!tpu.dma_semaphore, #tpu.memory_space<semaphore_mem>>)
      %slice3A_327 = vector.extract_strided_slice %get3A_53 {offsets = [6], sizes = [1], strides = [1]} : vector<16xi32> to vector<1xi32>
      %squeeze3A_328 = vector.extract %slice3A_327[0] : i32 from vector<1xi32>
      %jit3A_329 = arith.constant 8 : i32
      %div3A_330 = arith.divsi %squeeze3A_328, %jit3A_329 : i32
      %sign3A_331 = arith.constant 0 : i32
      %sign3A_332 = arith.cmpi sgt, %squeeze3A_328, %sign3A_331 : i32
      %sign3A_333 = arith.extui %sign3A_332 : i1 to i32
      %sign3A_334 = arith.constant 0 : i32
      %sign3A_335 = arith.cmpi slt, %squeeze3A_328, %sign3A_334 : i32
      %sign3A_336 = arith.extui %sign3A_335 : i1 to i32
      %sign3A_337 = arith.subi %sign3A_333, %sign3A_336 : i32
      %sign3A_338 = arith.constant 0 : i32
      %sign3A_339 = arith.cmpi sgt, %jit3A_329, %sign3A_338 : i32
      %sign3A_340 = arith.extui %sign3A_339 : i1 to i32
      %sign3A_341 = arith.constant 0 : i32
      %sign3A_342 = arith.cmpi slt, %jit3A_329, %sign3A_341 : i32
      %sign3A_343 = arith.extui %sign3A_342 : i1 to i32
      %sign3A_344 = arith.subi %sign3A_340, %sign3A_343 : i32
      %ne3A_345 = arith.cmpi ne, %sign3A_337, %sign3A_344 : i32
      %rem3A_346 = arith.remsi %squeeze3A_328, %jit3A_329 : i32
      %ne3A_347 = arith.constant 0 : i32
      %ne3A_348 = arith.cmpi ne, %rem3A_346, %ne3A_347 : i32
      %and3A_349 = arith.andi %ne3A_345, %ne3A_348 : i1
      %sub3A_350 = arith.constant 1 : i32
      %sub3A_351 = arith.subi %div3A_330, %sub3A_350 : i32
      %select_n3A_352 = arith.select %and3A_349, %sub3A_351, %div3A_330 : i32
      %slice3A_353 = vector.extract_strided_slice %get3A_53 {offsets = [6], sizes = [1], strides = [1]} : vector<16xi32> to vector<1xi32>
      %squeeze3A_354 = vector.extract %slice3A_353[0] : i32 from vector<1xi32>
      %and3A_355 = arith.constant 7 : i32
      %and3A_356 = arith.andi %squeeze3A_354, %and3A_355 : i32
      %mul3A_357 = arith.constant 16 : i32
      %mul3A_358 = arith.muli %scan3A_49, %mul3A_357 : i32
      %add3A_359 = arith.constant 6 : i32
      %add3A_360 = arith.addi %mul3A_358, %add3A_359 : i32
      %dma_start3A_361 = arith.constant 0 : i32
      %dma_start3A_362 = tpu.memref_slice %arg7[%add3A_360, %dma_start3A_361] : memref<256x64xf32, #tpu.memory_space<vmem>> -> memref<1x64xf32, #tpu.memory_space<vmem>>
      %dma_start3A_363 = tpu.memref_squeeze %dma_start3A_362 : memref<1x64xf32, #tpu.memory_space<vmem>> -> memref<64xf32, #tpu.memory_space<vmem>>
      %dma_start3A_364 = arith.constant 0 : i32
      %dma_start3A_365 = tpu.memref_slice %arg3[%select_n3A_352, %and3A_356, %dma_start3A_364] : memref<12500x8x64xf32, #tpu.memory_space<hbm>> -> memref<1x1x64xf32, #tpu.memory_space<hbm>>
      %dma_start3A_366 = tpu.memref_squeeze %dma_start3A_365 : memref<1x1x64xf32, #tpu.memory_space<hbm>> -> memref<64xf32, #tpu.memory_space<hbm>>
      %dma_start3A_367 = arith.constant 0 : i32
      %dma_start3A_368 = tpu.memref_slice %arg7[%add3A_360, %dma_start3A_367] : memref<256x64xf32, #tpu.memory_space<vmem>> -> memref<1x64xf32, #tpu.memory_space<vmem>>
      %dma_start3A_369 = tpu.memref_squeeze %dma_start3A_368 : memref<1x64xf32, #tpu.memory_space<vmem>> -> memref<64xf32, #tpu.memory_space<vmem>>
      %dma_start3A_370 = arith.constant 0 : i32
      %dma_start3A_371 = tpu.memref_slice %arg3[%select_n3A_352, %and3A_356, %dma_start3A_370] : memref<12500x8x64xf32, #tpu.memory_space<hbm>> -> memref<1x1x64xf32, #tpu.memory_space<hbm>>
      %dma_start3A_372 = tpu.memref_squeeze %dma_start3A_371 : memref<1x1x64xf32, #tpu.memory_space<hbm>> -> memref<64xf32, #tpu.memory_space<hbm>>
      tpu.enqueue_dma source(%dma_start3A_372 : memref<64xf32, #tpu.memory_space<hbm>>) target(%dma_start3A_369 : memref<64xf32, #tpu.memory_space<vmem>>) target_semaphore(%arg9 : memref<!tpu.dma_semaphore, #tpu.memory_space<semaphore_mem>>)
      %slice3A_373 = vector.extract_strided_slice %get3A_53 {offsets = [7], sizes = [1], strides = [1]} : vector<16xi32> to vector<1xi32>
      %squeeze3A_374 = vector.extract %slice3A_373[0] : i32 from vector<1xi32>
      %jit3A_375 = arith.constant 8 : i32
      %div3A_376 = arith.divsi %squeeze3A_374, %jit3A_375 : i32
      %sign3A_377 = arith.constant 0 : i32
      %sign3A_378 = arith.cmpi sgt, %squeeze3A_374, %sign3A_377 : i32
      %sign3A_379 = arith.extui %sign3A_378 : i1 to i32
      %sign3A_380 = arith.constant 0 : i32
      %sign3A_381 = arith.cmpi slt, %squeeze3A_374, %sign3A_380 : i32
      %sign3A_382 = arith.extui %sign3A_381 : i1 to i32
      %sign3A_383 = arith.subi %sign3A_379, %sign3A_382 : i32
      %sign3A_384 = arith.constant 0 : i32
      %sign3A_385 = arith.cmpi sgt, %jit3A_375, %sign3A_384 : i32
      %sign3A_386 = arith.extui %sign3A_385 : i1 to i32
      %sign3A_387 = arith.constant 0 : i32
      %sign3A_388 = arith.cmpi slt, %jit3A_375, %sign3A_387 : i32
      %sign3A_389 = arith.extui %sign3A_388 : i1 to i32
      %sign3A_390 = arith.subi %sign3A_386, %sign3A_389 : i32
      %ne3A_391 = arith.cmpi ne, %sign3A_383, %sign3A_390 : i32
      %rem3A_392 = arith.remsi %squeeze3A_374, %jit3A_375 : i32
      %ne3A_393 = arith.constant 0 : i32
      %ne3A_394 = arith.cmpi ne, %rem3A_392, %ne3A_393 : i32
      %and3A_395 = arith.andi %ne3A_391, %ne3A_394 : i1
      %sub3A_396 = arith.constant 1 : i32
      %sub3A_397 = arith.subi %div3A_376, %sub3A_396 : i32
      %select_n3A_398 = arith.select %and3A_395, %sub3A_397, %div3A_376 : i32
      %slice3A_399 = vector.extract_strided_slice %get3A_53 {offsets = [7], sizes = [1], strides = [1]} : vector<16xi32> to vector<1xi32>
      %squeeze3A_400 = vector.extract %slice3A_399[0] : i32 from vector<1xi32>
      %and3A_401 = arith.constant 7 : i32
      %and3A_402 = arith.andi %squeeze3A_400, %and3A_401 : i32
      %mul3A_403 = arith.constant 16 : i32
      %mul3A_404 = arith.muli %scan3A_49, %mul3A_403 : i32
      %add3A_405 = arith.constant 7 : i32
      %add3A_406 = arith.addi %mul3A_404, %add3A_405 : i32
      %dma_start3A_407 = arith.constant 0 : i32
      %dma_start3A_408 = tpu.memref_slice %arg7[%add3A_406, %dma_start3A_407] : memref<256x64xf32, #tpu.memory_space<vmem>> -> memref<1x64xf32, #tpu.memory_space<vmem>>
      %dma_start3A_409 = tpu.memref_squeeze %dma_start3A_408 : memref<1x64xf32, #tpu.memory_space<vmem>> -> memref<64xf32, #tpu.memory_space<vmem>>
      %dma_start3A_410 = arith.constant 0 : i32
      %dma_start3A_411 = tpu.memref_slice %arg3[%select_n3A_398, %and3A_402, %dma_start3A_410] : memref<12500x8x64xf32, #tpu.memory_space<hbm>> -> memref<1x1x64xf32, #tpu.memory_space<hbm>>
      %dma_start3A_412 = tpu.memref_squeeze %dma_start3A_411 : memref<1x1x64xf32, #tpu.memory_space<hbm>> -> memref<64xf32, #tpu.memory_space<hbm>>
      %dma_start3A_413 = arith.constant 0 : i32
      %dma_start3A_414 = tpu.memref_slice %arg7[%add3A_406, %dma_start3A_413] : memref<256x64xf32, #tpu.memory_space<vmem>> -> memref<1x64xf32, #tpu.memory_space<vmem>>
      %dma_start3A_415 = tpu.memref_squeeze %dma_start3A_414 : memref<1x64xf32, #tpu.memory_space<vmem>> -> memref<64xf32, #tpu.memory_space<vmem>>
      %dma_start3A_416 = arith.constant 0 : i32
      %dma_start3A_417 = tpu.memref_slice %arg3[%select_n3A_398, %and3A_402, %dma_start3A_416] : memref<12500x8x64xf32, #tpu.memory_space<hbm>> -> memref<1x1x64xf32, #tpu.memory_space<hbm>>
      %dma_start3A_418 = tpu.memref_squeeze %dma_start3A_417 : memref<1x1x64xf32, #tpu.memory_space<hbm>> -> memref<64xf32, #tpu.memory_space<hbm>>
      tpu.enqueue_dma source(%dma_start3A_418 : memref<64xf32, #tpu.memory_space<hbm>>) target(%dma_start3A_415 : memref<64xf32, #tpu.memory_space<vmem>>) target_semaphore(%arg9 : memref<!tpu.dma_semaphore, #tpu.memory_space<semaphore_mem>>)
      %slice3A_419 = vector.extract_strided_slice %get3A_53 {offsets = [8], sizes = [1], strides = [1]} : vector<16xi32> to vector<1xi32>
      %squeeze3A_420 = vector.extract %slice3A_419[0] : i32 from vector<1xi32>
      %jit3A_421 = arith.constant 8 : i32
      %div3A_422 = arith.divsi %squeeze3A_420, %jit3A_421 : i32
      %sign3A_423 = arith.constant 0 : i32
      %sign3A_424 = arith.cmpi sgt, %squeeze3A_420, %sign3A_423 : i32
      %sign3A_425 = arith.extui %sign3A_424 : i1 to i32
      %sign3A_426 = arith.constant 0 : i32
      %sign3A_427 = arith.cmpi slt, %squeeze3A_420, %sign3A_426 : i32
      %sign3A_428 = arith.extui %sign3A_427 : i1 to i32
      %sign3A_429 = arith.subi %sign3A_425, %sign3A_428 : i32
      %sign3A_430 = arith.constant 0 : i32
      %sign3A_431 = arith.cmpi sgt, %jit3A_421, %sign3A_430 : i32
      %sign3A_432 = arith.extui %sign3A_431 : i1 to i32
      %sign3A_433 = arith.constant 0 : i32
      %sign3A_434 = arith.cmpi slt, %jit3A_421, %sign3A_433 : i32
      %sign3A_435 = arith.extui %sign3A_434 : i1 to i32
      %sign3A_436 = arith.subi %sign3A_432, %sign3A_435 : i32
      %ne3A_437 = arith.cmpi ne, %sign3A_429, %sign3A_436 : i32
      %rem3A_438 = arith.remsi %squeeze3A_420, %jit3A_421 : i32
      %ne3A_439 = arith.constant 0 : i32
      %ne3A_440 = arith.cmpi ne, %rem3A_438, %ne3A_439 : i32
      %and3A_441 = arith.andi %ne3A_437, %ne3A_440 : i1
      %sub3A_442 = arith.constant 1 : i32
      %sub3A_443 = arith.subi %div3A_422, %sub3A_442 : i32
      %select_n3A_444 = arith.select %and3A_441, %sub3A_443, %div3A_422 : i32
      %slice3A_445 = vector.extract_strided_slice %get3A_53 {offsets = [8], sizes = [1], strides = [1]} : vector<16xi32> to vector<1xi32>
      %squeeze3A_446 = vector.extract %slice3A_445[0] : i32 from vector<1xi32>
      %and3A_447 = arith.constant 7 : i32
      %and3A_448 = arith.andi %squeeze3A_446, %and3A_447 : i32
      %mul3A_449 = arith.constant 16 : i32
      %mul3A_450 = arith.muli %scan3A_49, %mul3A_449 : i32
      %add3A_451 = arith.constant 8 : i32
      %add3A_452 = arith.addi %mul3A_450, %add3A_451 : i32
      %dma_start3A_453 = arith.constant 0 : i32
      %dma_start3A_454 = tpu.memref_slice %arg7[%add3A_452, %dma_start3A_453] : memref<256x64xf32, #tpu.memory_space<vmem>> -> memref<1x64xf32, #tpu.memory_space<vmem>>
      %dma_start3A_455 = tpu.memref_squeeze %dma_start3A_454 : memref<1x64xf32, #tpu.memory_space<vmem>> -> memref<64xf32, #tpu.memory_space<vmem>>
      %dma_start3A_456 = arith.constant 0 : i32
      %dma_start3A_457 = tpu.memref_slice %arg3[%select_n3A_444, %and3A_448, %dma_start3A_456] : memref<12500x8x64xf32, #tpu.memory_space<hbm>> -> memref<1x1x64xf32, #tpu.memory_space<hbm>>
      %dma_start3A_458 = tpu.memref_squeeze %dma_start3A_457 : memref<1x1x64xf32, #tpu.memory_space<hbm>> -> memref<64xf32, #tpu.memory_space<hbm>>
      %dma_start3A_459 = arith.constant 0 : i32
      %dma_start3A_460 = tpu.memref_slice %arg7[%add3A_452, %dma_start3A_459] : memref<256x64xf32, #tpu.memory_space<vmem>> -> memref<1x64xf32, #tpu.memory_space<vmem>>
      %dma_start3A_461 = tpu.memref_squeeze %dma_start3A_460 : memref<1x64xf32, #tpu.memory_space<vmem>> -> memref<64xf32, #tpu.memory_space<vmem>>
      %dma_start3A_462 = arith.constant 0 : i32
      %dma_start3A_463 = tpu.memref_slice %arg3[%select_n3A_444, %and3A_448, %dma_start3A_462] : memref<12500x8x64xf32, #tpu.memory_space<hbm>> -> memref<1x1x64xf32, #tpu.memory_space<hbm>>
      %dma_start3A_464 = tpu.memref_squeeze %dma_start3A_463 : memref<1x1x64xf32, #tpu.memory_space<hbm>> -> memref<64xf32, #tpu.memory_space<hbm>>
      tpu.enqueue_dma source(%dma_start3A_464 : memref<64xf32, #tpu.memory_space<hbm>>) target(%dma_start3A_461 : memref<64xf32, #tpu.memory_space<vmem>>) target_semaphore(%arg9 : memref<!tpu.dma_semaphore, #tpu.memory_space<semaphore_mem>>)
      %slice3A_465 = vector.extract_strided_slice %get3A_53 {offsets = [9], sizes = [1], strides = [1]} : vector<16xi32> to vector<1xi32>
      %squeeze3A_466 = vector.extract %slice3A_465[0] : i32 from vector<1xi32>
      %jit3A_467 = arith.constant 8 : i32
      %div3A_468 = arith.divsi %squeeze3A_466, %jit3A_467 : i32
      %sign3A_469 = arith.constant 0 : i32
      %sign3A_470 = arith.cmpi sgt, %squeeze3A_466, %sign3A_469 : i32
      %sign3A_471 = arith.extui %sign3A_470 : i1 to i32
      %sign3A_472 = arith.constant 0 : i32
      %sign3A_473 = arith.cmpi slt, %squeeze3A_466, %sign3A_472 : i32
      %sign3A_474 = arith.extui %sign3A_473 : i1 to i32
      %sign3A_475 = arith.subi %sign3A_471, %sign3A_474 : i32
      %sign3A_476 = arith.constant 0 : i32
      %sign3A_477 = arith.cmpi sgt, %jit3A_467, %sign3A_476 : i32
      %sign3A_478 = arith.extui %sign3A_477 : i1 to i32
      %sign3A_479 = arith.constant 0 : i32
      %sign3A_480 = arith.cmpi slt, %jit3A_467, %sign3A_479 : i32
      %sign3A_481 = arith.extui %sign3A_480 : i1 to i32
      %sign3A_482 = arith.subi %sign3A_478, %sign3A_481 : i32
      %ne3A_483 = arith.cmpi ne, %sign3A_475, %sign3A_482 : i32
      %rem3A_484 = arith.remsi %squeeze3A_466, %jit3A_467 : i32
      %ne3A_485 = arith.constant 0 : i32
      %ne3A_486 = arith.cmpi ne, %rem3A_484, %ne3A_485 : i32
      %and3A_487 = arith.andi %ne3A_483, %ne3A_486 : i1
      %sub3A_488 = arith.constant 1 : i32
      %sub3A_489 = arith.subi %div3A_468, %sub3A_488 : i32
      %select_n3A_490 = arith.select %and3A_487, %sub3A_489, %div3A_468 : i32
      %slice3A_491 = vector.extract_strided_slice %get3A_53 {offsets = [9], sizes = [1], strides = [1]} : vector<16xi32> to vector<1xi32>
      %squeeze3A_492 = vector.extract %slice3A_491[0] : i32 from vector<1xi32>
      %and3A_493 = arith.constant 7 : i32
      %and3A_494 = arith.andi %squeeze3A_492, %and3A_493 : i32
      %mul3A_495 = arith.constant 16 : i32
      %mul3A_496 = arith.muli %scan3A_49, %mul3A_495 : i32
      %add3A_497 = arith.constant 9 : i32
      %add3A_498 = arith.addi %mul3A_496, %add3A_497 : i32
      %dma_start3A_499 = arith.constant 0 : i32
      %dma_start3A_500 = tpu.memref_slice %arg7[%add3A_498, %dma_start3A_499] : memref<256x64xf32, #tpu.memory_space<vmem>> -> memref<1x64xf32, #tpu.memory_space<vmem>>
      %dma_start3A_501 = tpu.memref_squeeze %dma_start3A_500 : memref<1x64xf32, #tpu.memory_space<vmem>> -> memref<64xf32, #tpu.memory_space<vmem>>
      %dma_start3A_502 = arith.constant 0 : i32
      %dma_start3A_503 = tpu.memref_slice %arg3[%select_n3A_490, %and3A_494, %dma_start3A_502] : memref<12500x8x64xf32, #tpu.memory_space<hbm>> -> memref<1x1x64xf32, #tpu.memory_space<hbm>>
      %dma_start3A_504 = tpu.memref_squeeze %dma_start3A_503 : memref<1x1x64xf32, #tpu.memory_space<hbm>> -> memref<64xf32, #tpu.memory_space<hbm>>
      %dma_start3A_505 = arith.constant 0 : i32
      %dma_start3A_506 = tpu.memref_slice %arg7[%add3A_498, %dma_start3A_505] : memref<256x64xf32, #tpu.memory_space<vmem>> -> memref<1x64xf32, #tpu.memory_space<vmem>>
      %dma_start3A_507 = tpu.memref_squeeze %dma_start3A_506 : memref<1x64xf32, #tpu.memory_space<vmem>> -> memref<64xf32, #tpu.memory_space<vmem>>
      %dma_start3A_508 = arith.constant 0 : i32
      %dma_start3A_509 = tpu.memref_slice %arg3[%select_n3A_490, %and3A_494, %dma_start3A_508] : memref<12500x8x64xf32, #tpu.memory_space<hbm>> -> memref<1x1x64xf32, #tpu.memory_space<hbm>>
      %dma_start3A_510 = tpu.memref_squeeze %dma_start3A_509 : memref<1x1x64xf32, #tpu.memory_space<hbm>> -> memref<64xf32, #tpu.memory_space<hbm>>
      tpu.enqueue_dma source(%dma_start3A_510 : memref<64xf32, #tpu.memory_space<hbm>>) target(%dma_start3A_507 : memref<64xf32, #tpu.memory_space<vmem>>) target_semaphore(%arg9 : memref<!tpu.dma_semaphore, #tpu.memory_space<semaphore_mem>>)
      %slice3A_511 = vector.extract_strided_slice %get3A_53 {offsets = [10], sizes = [1], strides = [1]} : vector<16xi32> to vector<1xi32>
      %squeeze3A_512 = vector.extract %slice3A_511[0] : i32 from vector<1xi32>
      %jit3A_513 = arith.constant 8 : i32
      %div3A_514 = arith.divsi %squeeze3A_512, %jit3A_513 : i32
      %sign3A_515 = arith.constant 0 : i32
      %sign3A_516 = arith.cmpi sgt, %squeeze3A_512, %sign3A_515 : i32
      %sign3A_517 = arith.extui %sign3A_516 : i1 to i32
      %sign3A_518 = arith.constant 0 : i32
      %sign3A_519 = arith.cmpi slt, %squeeze3A_512, %sign3A_518 : i32
      %sign3A_520 = arith.extui %sign3A_519 : i1 to i32
      %sign3A_521 = arith.subi %sign3A_517, %sign3A_520 : i32
      %sign3A_522 = arith.constant 0 : i32
      %sign3A_523 = arith.cmpi sgt, %jit3A_513, %sign3A_522 : i32
      %sign3A_524 = arith.extui %sign3A_523 : i1 to i32
      %sign3A_525 = arith.constant 0 : i32
      %sign3A_526 = arith.cmpi slt, %jit3A_513, %sign3A_525 : i32
      %sign3A_527 = arith.extui %sign3A_526 : i1 to i32
      %sign3A_528 = arith.subi %sign3A_524, %sign3A_527 : i32
      %ne3A_529 = arith.cmpi ne, %sign3A_521, %sign3A_528 : i32
      %rem3A_530 = arith.remsi %squeeze3A_512, %jit3A_513 : i32
      %ne3A_531 = arith.constant 0 : i32
      %ne3A_532 = arith.cmpi ne, %rem3A_530, %ne3A_531 : i32
      %and3A_533 = arith.andi %ne3A_529, %ne3A_532 : i1
      %sub3A_534 = arith.constant 1 : i32
      %sub3A_535 = arith.subi %div3A_514, %sub3A_534 : i32
      %select_n3A_536 = arith.select %and3A_533, %sub3A_535, %div3A_514 : i32
      %slice3A_537 = vector.extract_strided_slice %get3A_53 {offsets = [10], sizes = [1], strides = [1]} : vector<16xi32> to vector<1xi32>
      %squeeze3A_538 = vector.extract %slice3A_537[0] : i32 from vector<1xi32>
      %and3A_539 = arith.constant 7 : i32
      %and3A_540 = arith.andi %squeeze3A_538, %and3A_539 : i32
      %mul3A_541 = arith.constant 16 : i32
      %mul3A_542 = arith.muli %scan3A_49, %mul3A_541 : i32
      %add3A_543 = arith.constant 10 : i32
      %add3A_544 = arith.addi %mul3A_542, %add3A_543 : i32
      %dma_start3A_545 = arith.constant 0 : i32
      %dma_start3A_546 = tpu.memref_slice %arg7[%add3A_544, %dma_start3A_545] : memref<256x64xf32, #tpu.memory_space<vmem>> -> memref<1x64xf32, #tpu.memory_space<vmem>>
      %dma_start3A_547 = tpu.memref_squeeze %dma_start3A_546 : memref<1x64xf32, #tpu.memory_space<vmem>> -> memref<64xf32, #tpu.memory_space<vmem>>
      %dma_start3A_548 = arith.constant 0 : i32
      %dma_start3A_549 = tpu.memref_slice %arg3[%select_n3A_536, %and3A_540, %dma_start3A_548] : memref<12500x8x64xf32, #tpu.memory_space<hbm>> -> memref<1x1x64xf32, #tpu.memory_space<hbm>>
      %dma_start3A_550 = tpu.memref_squeeze %dma_start3A_549 : memref<1x1x64xf32, #tpu.memory_space<hbm>> -> memref<64xf32, #tpu.memory_space<hbm>>
      %dma_start3A_551 = arith.constant 0 : i32
      %dma_start3A_552 = tpu.memref_slice %arg7[%add3A_544, %dma_start3A_551] : memref<256x64xf32, #tpu.memory_space<vmem>> -> memref<1x64xf32, #tpu.memory_space<vmem>>
      %dma_start3A_553 = tpu.memref_squeeze %dma_start3A_552 : memref<1x64xf32, #tpu.memory_space<vmem>> -> memref<64xf32, #tpu.memory_space<vmem>>
      %dma_start3A_554 = arith.constant 0 : i32
      %dma_start3A_555 = tpu.memref_slice %arg3[%select_n3A_536, %and3A_540, %dma_start3A_554] : memref<12500x8x64xf32, #tpu.memory_space<hbm>> -> memref<1x1x64xf32, #tpu.memory_space<hbm>>
      %dma_start3A_556 = tpu.memref_squeeze %dma_start3A_555 : memref<1x1x64xf32, #tpu.memory_space<hbm>> -> memref<64xf32, #tpu.memory_space<hbm>>
      tpu.enqueue_dma source(%dma_start3A_556 : memref<64xf32, #tpu.memory_space<hbm>>) target(%dma_start3A_553 : memref<64xf32, #tpu.memory_space<vmem>>) target_semaphore(%arg9 : memref<!tpu.dma_semaphore, #tpu.memory_space<semaphore_mem>>)
      %slice3A_557 = vector.extract_strided_slice %get3A_53 {offsets = [11], sizes = [1], strides = [1]} : vector<16xi32> to vector<1xi32>
      %squeeze3A_558 = vector.extract %slice3A_557[0] : i32 from vector<1xi32>
      %jit3A_559 = arith.constant 8 : i32
      %div3A_560 = arith.divsi %squeeze3A_558, %jit3A_559 : i32
      %sign3A_561 = arith.constant 0 : i32
      %sign3A_562 = arith.cmpi sgt, %squeeze3A_558, %sign3A_561 : i32
      %sign3A_563 = arith.extui %sign3A_562 : i1 to i32
      %sign3A_564 = arith.constant 0 : i32
      %sign3A_565 = arith.cmpi slt, %squeeze3A_558, %sign3A_564 : i32
      %sign3A_566 = arith.extui %sign3A_565 : i1 to i32
      %sign3A_567 = arith.subi %sign3A_563, %sign3A_566 : i32
      %sign3A_568 = arith.constant 0 : i32
      %sign3A_569 = arith.cmpi sgt, %jit3A_559, %sign3A_568 : i32
      %sign3A_570 = arith.extui %sign3A_569 : i1 to i32
      %sign3A_571 = arith.constant 0 : i32
      %sign3A_572 = arith.cmpi slt, %jit3A_559, %sign3A_571 : i32
      %sign3A_573 = arith.extui %sign3A_572 : i1 to i32
      %sign3A_574 = arith.subi %sign3A_570, %sign3A_573 : i32
      %ne3A_575 = arith.cmpi ne, %sign3A_567, %sign3A_574 : i32
      %rem3A_576 = arith.remsi %squeeze3A_558, %jit3A_559 : i32
      %ne3A_577 = arith.constant 0 : i32
      %ne3A_578 = arith.cmpi ne, %rem3A_576, %ne3A_577 : i32
      %and3A_579 = arith.andi %ne3A_575, %ne3A_578 : i1
      %sub3A_580 = arith.constant 1 : i32
      %sub3A_581 = arith.subi %div3A_560, %sub3A_580 : i32
      %select_n3A_582 = arith.select %and3A_579, %sub3A_581, %div3A_560 : i32
      %slice3A_583 = vector.extract_strided_slice %get3A_53 {offsets = [11], sizes = [1], strides = [1]} : vector<16xi32> to vector<1xi32>
      %squeeze3A_584 = vector.extract %slice3A_583[0] : i32 from vector<1xi32>
      %and3A_585 = arith.constant 7 : i32
      %and3A_586 = arith.andi %squeeze3A_584, %and3A_585 : i32
      %mul3A_587 = arith.constant 16 : i32
      %mul3A_588 = arith.muli %scan3A_49, %mul3A_587 : i32
      %add3A_589 = arith.constant 11 : i32
      %add3A_590 = arith.addi %mul3A_588, %add3A_589 : i32
      %dma_start3A_591 = arith.constant 0 : i32
      %dma_start3A_592 = tpu.memref_slice %arg7[%add3A_590, %dma_start3A_591] : memref<256x64xf32, #tpu.memory_space<vmem>> -> memref<1x64xf32, #tpu.memory_space<vmem>>
      %dma_start3A_593 = tpu.memref_squeeze %dma_start3A_592 : memref<1x64xf32, #tpu.memory_space<vmem>> -> memref<64xf32, #tpu.memory_space<vmem>>
      %dma_start3A_594 = arith.constant 0 : i32
      %dma_start3A_595 = tpu.memref_slice %arg3[%select_n3A_582, %and3A_586, %dma_start3A_594] : memref<12500x8x64xf32, #tpu.memory_space<hbm>> -> memref<1x1x64xf32, #tpu.memory_space<hbm>>
      %dma_start3A_596 = tpu.memref_squeeze %dma_start3A_595 : memref<1x1x64xf32, #tpu.memory_space<hbm>> -> memref<64xf32, #tpu.memory_space<hbm>>
      %dma_start3A_597 = arith.constant 0 : i32
      %dma_start3A_598 = tpu.memref_slice %arg7[%add3A_590, %dma_start3A_597] : memref<256x64xf32, #tpu.memory_space<vmem>> -> memref<1x64xf32, #tpu.memory_space<vmem>>
      %dma_start3A_599 = tpu.memref_squeeze %dma_start3A_598 : memref<1x64xf32, #tpu.memory_space<vmem>> -> memref<64xf32, #tpu.memory_space<vmem>>
      %dma_start3A_600 = arith.constant 0 : i32
      %dma_start3A_601 = tpu.memref_slice %arg3[%select_n3A_582, %and3A_586, %dma_start3A_600] : memref<12500x8x64xf32, #tpu.memory_space<hbm>> -> memref<1x1x64xf32, #tpu.memory_space<hbm>>
      %dma_start3A_602 = tpu.memref_squeeze %dma_start3A_601 : memref<1x1x64xf32, #tpu.memory_space<hbm>> -> memref<64xf32, #tpu.memory_space<hbm>>
      tpu.enqueue_dma source(%dma_start3A_602 : memref<64xf32, #tpu.memory_space<hbm>>) target(%dma_start3A_599 : memref<64xf32, #tpu.memory_space<vmem>>) target_semaphore(%arg9 : memref<!tpu.dma_semaphore, #tpu.memory_space<semaphore_mem>>)
      %slice3A_603 = vector.extract_strided_slice %get3A_53 {offsets = [12], sizes = [1], strides = [1]} : vector<16xi32> to vector<1xi32>
      %squeeze3A_604 = vector.extract %slice3A_603[0] : i32 from vector<1xi32>
      %jit3A_605 = arith.constant 8 : i32
      %div3A_606 = arith.divsi %squeeze3A_604, %jit3A_605 : i32
      %sign3A_607 = arith.constant 0 : i32
      %sign3A_608 = arith.cmpi sgt, %squeeze3A_604, %sign3A_607 : i32
      %sign3A_609 = arith.extui %sign3A_608 : i1 to i32
      %sign3A_610 = arith.constant 0 : i32
      %sign3A_611 = arith.cmpi slt, %squeeze3A_604, %sign3A_610 : i32
      %sign3A_612 = arith.extui %sign3A_611 : i1 to i32
      %sign3A_613 = arith.subi %sign3A_609, %sign3A_612 : i32
      %sign3A_614 = arith.constant 0 : i32
      %sign3A_615 = arith.cmpi sgt, %jit3A_605, %sign3A_614 : i32
      %sign3A_616 = arith.extui %sign3A_615 : i1 to i32
      %sign3A_617 = arith.constant 0 : i32
      %sign3A_618 = arith.cmpi slt, %jit3A_605, %sign3A_617 : i32
      %sign3A_619 = arith.extui %sign3A_618 : i1 to i32
      %sign3A_620 = arith.subi %sign3A_616, %sign3A_619 : i32
      %ne3A_621 = arith.cmpi ne, %sign3A_613, %sign3A_620 : i32
      %rem3A_622 = arith.remsi %squeeze3A_604, %jit3A_605 : i32
      %ne3A_623 = arith.constant 0 : i32
      %ne3A_624 = arith.cmpi ne, %rem3A_622, %ne3A_623 : i32
      %and3A_625 = arith.andi %ne3A_621, %ne3A_624 : i1
      %sub3A_626 = arith.constant 1 : i32
      %sub3A_627 = arith.subi %div3A_606, %sub3A_626 : i32
      %select_n3A_628 = arith.select %and3A_625, %sub3A_627, %div3A_606 : i32
      %slice3A_629 = vector.extract_strided_slice %get3A_53 {offsets = [12], sizes = [1], strides = [1]} : vector<16xi32> to vector<1xi32>
      %squeeze3A_630 = vector.extract %slice3A_629[0] : i32 from vector<1xi32>
      %and3A_631 = arith.constant 7 : i32
      %and3A_632 = arith.andi %squeeze3A_630, %and3A_631 : i32
      %mul3A_633 = arith.constant 16 : i32
      %mul3A_634 = arith.muli %scan3A_49, %mul3A_633 : i32
      %add3A_635 = arith.constant 12 : i32
      %add3A_636 = arith.addi %mul3A_634, %add3A_635 : i32
      %dma_start3A_637 = arith.constant 0 : i32
      %dma_start3A_638 = tpu.memref_slice %arg7[%add3A_636, %dma_start3A_637] : memref<256x64xf32, #tpu.memory_space<vmem>> -> memref<1x64xf32, #tpu.memory_space<vmem>>
      %dma_start3A_639 = tpu.memref_squeeze %dma_start3A_638 : memref<1x64xf32, #tpu.memory_space<vmem>> -> memref<64xf32, #tpu.memory_space<vmem>>
      %dma_start3A_640 = arith.constant 0 : i32
      %dma_start3A_641 = tpu.memref_slice %arg3[%select_n3A_628, %and3A_632, %dma_start3A_640] : memref<12500x8x64xf32, #tpu.memory_space<hbm>> -> memref<1x1x64xf32, #tpu.memory_space<hbm>>
      %dma_start3A_642 = tpu.memref_squeeze %dma_start3A_641 : memref<1x1x64xf32, #tpu.memory_space<hbm>> -> memref<64xf32, #tpu.memory_space<hbm>>
      %dma_start3A_643 = arith.constant 0 : i32
      %dma_start3A_644 = tpu.memref_slice %arg7[%add3A_636, %dma_start3A_643] : memref<256x64xf32, #tpu.memory_space<vmem>> -> memref<1x64xf32, #tpu.memory_space<vmem>>
      %dma_start3A_645 = tpu.memref_squeeze %dma_start3A_644 : memref<1x64xf32, #tpu.memory_space<vmem>> -> memref<64xf32, #tpu.memory_space<vmem>>
      %dma_start3A_646 = arith.constant 0 : i32
      %dma_start3A_647 = tpu.memref_slice %arg3[%select_n3A_628, %and3A_632, %dma_start3A_646] : memref<12500x8x64xf32, #tpu.memory_space<hbm>> -> memref<1x1x64xf32, #tpu.memory_space<hbm>>
      %dma_start3A_648 = tpu.memref_squeeze %dma_start3A_647 : memref<1x1x64xf32, #tpu.memory_space<hbm>> -> memref<64xf32, #tpu.memory_space<hbm>>
      tpu.enqueue_dma source(%dma_start3A_648 : memref<64xf32, #tpu.memory_space<hbm>>) target(%dma_start3A_645 : memref<64xf32, #tpu.memory_space<vmem>>) target_semaphore(%arg9 : memref<!tpu.dma_semaphore, #tpu.memory_space<semaphore_mem>>)
      %slice3A_649 = vector.extract_strided_slice %get3A_53 {offsets = [13], sizes = [1], strides = [1]} : vector<16xi32> to vector<1xi32>
      %squeeze3A_650 = vector.extract %slice3A_649[0] : i32 from vector<1xi32>
      %jit3A_651 = arith.constant 8 : i32
      %div3A_652 = arith.divsi %squeeze3A_650, %jit3A_651 : i32
      %sign3A_653 = arith.constant 0 : i32
      %sign3A_654 = arith.cmpi sgt, %squeeze3A_650, %sign3A_653 : i32
      %sign3A_655 = arith.extui %sign3A_654 : i1 to i32
      %sign3A_656 = arith.constant 0 : i32
      %sign3A_657 = arith.cmpi slt, %squeeze3A_650, %sign3A_656 : i32
      %sign3A_658 = arith.extui %sign3A_657 : i1 to i32
      %sign3A_659 = arith.subi %sign3A_655, %sign3A_658 : i32
      %sign3A_660 = arith.constant 0 : i32
      %sign3A_661 = arith.cmpi sgt, %jit3A_651, %sign3A_660 : i32
      %sign3A_662 = arith.extui %sign3A_661 : i1 to i32
      %sign3A_663 = arith.constant 0 : i32
      %sign3A_664 = arith.cmpi slt, %jit3A_651, %sign3A_663 : i32
      %sign3A_665 = arith.extui %sign3A_664 : i1 to i32
      %sign3A_666 = arith.subi %sign3A_662, %sign3A_665 : i32
      %ne3A_667 = arith.cmpi ne, %sign3A_659, %sign3A_666 : i32
      %rem3A_668 = arith.remsi %squeeze3A_650, %jit3A_651 : i32
      %ne3A_669 = arith.constant 0 : i32
      %ne3A_670 = arith.cmpi ne, %rem3A_668, %ne3A_669 : i32
      %and3A_671 = arith.andi %ne3A_667, %ne3A_670 : i1
      %sub3A_672 = arith.constant 1 : i32
      %sub3A_673 = arith.subi %div3A_652, %sub3A_672 : i32
      %select_n3A_674 = arith.select %and3A_671, %sub3A_673, %div3A_652 : i32
      %slice3A_675 = vector.extract_strided_slice %get3A_53 {offsets = [13], sizes = [1], strides = [1]} : vector<16xi32> to vector<1xi32>
      %squeeze3A_676 = vector.extract %slice3A_675[0] : i32 from vector<1xi32>
      %and3A_677 = arith.constant 7 : i32
      %and3A_678 = arith.andi %squeeze3A_676, %and3A_677 : i32
      %mul3A_679 = arith.constant 16 : i32
      %mul3A_680 = arith.muli %scan3A_49, %mul3A_679 : i32
      %add3A_681 = arith.constant 13 : i32
      %add3A_682 = arith.addi %mul3A_680, %add3A_681 : i32
      %dma_start3A_683 = arith.constant 0 : i32
      %dma_start3A_684 = tpu.memref_slice %arg7[%add3A_682, %dma_start3A_683] : memref<256x64xf32, #tpu.memory_space<vmem>> -> memref<1x64xf32, #tpu.memory_space<vmem>>
      %dma_start3A_685 = tpu.memref_squeeze %dma_start3A_684 : memref<1x64xf32, #tpu.memory_space<vmem>> -> memref<64xf32, #tpu.memory_space<vmem>>
      %dma_start3A_686 = arith.constant 0 : i32
      %dma_start3A_687 = tpu.memref_slice %arg3[%select_n3A_674, %and3A_678, %dma_start3A_686] : memref<12500x8x64xf32, #tpu.memory_space<hbm>> -> memref<1x1x64xf32, #tpu.memory_space<hbm>>
      %dma_start3A_688 = tpu.memref_squeeze %dma_start3A_687 : memref<1x1x64xf32, #tpu.memory_space<hbm>> -> memref<64xf32, #tpu.memory_space<hbm>>
      %dma_start3A_689 = arith.constant 0 : i32
      %dma_start3A_690 = tpu.memref_slice %arg7[%add3A_682, %dma_start3A_689] : memref<256x64xf32, #tpu.memory_space<vmem>> -> memref<1x64xf32, #tpu.memory_space<vmem>>
      %dma_start3A_691 = tpu.memref_squeeze %dma_start3A_690 : memref<1x64xf32, #tpu.memory_space<vmem>> -> memref<64xf32, #tpu.memory_space<vmem>>
      %dma_start3A_692 = arith.constant 0 : i32
      %dma_start3A_693 = tpu.memref_slice %arg3[%select_n3A_674, %and3A_678, %dma_start3A_692] : memref<12500x8x64xf32, #tpu.memory_space<hbm>> -> memref<1x1x64xf32, #tpu.memory_space<hbm>>
      %dma_start3A_694 = tpu.memref_squeeze %dma_start3A_693 : memref<1x1x64xf32, #tpu.memory_space<hbm>> -> memref<64xf32, #tpu.memory_space<hbm>>
      tpu.enqueue_dma source(%dma_start3A_694 : memref<64xf32, #tpu.memory_space<hbm>>) target(%dma_start3A_691 : memref<64xf32, #tpu.memory_space<vmem>>) target_semaphore(%arg9 : memref<!tpu.dma_semaphore, #tpu.memory_space<semaphore_mem>>)
      %slice3A_695 = vector.extract_strided_slice %get3A_53 {offsets = [14], sizes = [1], strides = [1]} : vector<16xi32> to vector<1xi32>
      %squeeze3A_696 = vector.extract %slice3A_695[0] : i32 from vector<1xi32>
      %jit3A_697 = arith.constant 8 : i32
      %div3A_698 = arith.divsi %squeeze3A_696, %jit3A_697 : i32
      %sign3A_699 = arith.constant 0 : i32
      %sign3A_700 = arith.cmpi sgt, %squeeze3A_696, %sign3A_699 : i32
      %sign3A_701 = arith.extui %sign3A_700 : i1 to i32
      %sign3A_702 = arith.constant 0 : i32
      %sign3A_703 = arith.cmpi slt, %squeeze3A_696, %sign3A_702 : i32
      %sign3A_704 = arith.extui %sign3A_703 : i1 to i32
      %sign3A_705 = arith.subi %sign3A_701, %sign3A_704 : i32
      %sign3A_706 = arith.constant 0 : i32
      %sign3A_707 = arith.cmpi sgt, %jit3A_697, %sign3A_706 : i32
      %sign3A_708 = arith.extui %sign3A_707 : i1 to i32
      %sign3A_709 = arith.constant 0 : i32
      %sign3A_710 = arith.cmpi slt, %jit3A_697, %sign3A_709 : i32
      %sign3A_711 = arith.extui %sign3A_710 : i1 to i32
      %sign3A_712 = arith.subi %sign3A_708, %sign3A_711 : i32
      %ne3A_713 = arith.cmpi ne, %sign3A_705, %sign3A_712 : i32
      %rem3A_714 = arith.remsi %squeeze3A_696, %jit3A_697 : i32
      %ne3A_715 = arith.constant 0 : i32
      %ne3A_716 = arith.cmpi ne, %rem3A_714, %ne3A_715 : i32
      %and3A_717 = arith.andi %ne3A_713, %ne3A_716 : i1
      %sub3A_718 = arith.constant 1 : i32
      %sub3A_719 = arith.subi %div3A_698, %sub3A_718 : i32
      %select_n3A_720 = arith.select %and3A_717, %sub3A_719, %div3A_698 : i32
      %slice3A_721 = vector.extract_strided_slice %get3A_53 {offsets = [14], sizes = [1], strides = [1]} : vector<16xi32> to vector<1xi32>
      %squeeze3A_722 = vector.extract %slice3A_721[0] : i32 from vector<1xi32>
      %and3A_723 = arith.constant 7 : i32
      %and3A_724 = arith.andi %squeeze3A_722, %and3A_723 : i32
      %mul3A_725 = arith.constant 16 : i32
      %mul3A_726 = arith.muli %scan3A_49, %mul3A_725 : i32
      %add3A_727 = arith.constant 14 : i32
      %add3A_728 = arith.addi %mul3A_726, %add3A_727 : i32
      %dma_start3A_729 = arith.constant 0 : i32
      %dma_start3A_730 = tpu.memref_slice %arg7[%add3A_728, %dma_start3A_729] : memref<256x64xf32, #tpu.memory_space<vmem>> -> memref<1x64xf32, #tpu.memory_space<vmem>>
      %dma_start3A_731 = tpu.memref_squeeze %dma_start3A_730 : memref<1x64xf32, #tpu.memory_space<vmem>> -> memref<64xf32, #tpu.memory_space<vmem>>
      %dma_start3A_732 = arith.constant 0 : i32
      %dma_start3A_733 = tpu.memref_slice %arg3[%select_n3A_720, %and3A_724, %dma_start3A_732] : memref<12500x8x64xf32, #tpu.memory_space<hbm>> -> memref<1x1x64xf32, #tpu.memory_space<hbm>>
      %dma_start3A_734 = tpu.memref_squeeze %dma_start3A_733 : memref<1x1x64xf32, #tpu.memory_space<hbm>> -> memref<64xf32, #tpu.memory_space<hbm>>
      %dma_start3A_735 = arith.constant 0 : i32
      %dma_start3A_736 = tpu.memref_slice %arg7[%add3A_728, %dma_start3A_735] : memref<256x64xf32, #tpu.memory_space<vmem>> -> memref<1x64xf32, #tpu.memory_space<vmem>>
      %dma_start3A_737 = tpu.memref_squeeze %dma_start3A_736 : memref<1x64xf32, #tpu.memory_space<vmem>> -> memref<64xf32, #tpu.memory_space<vmem>>
      %dma_start3A_738 = arith.constant 0 : i32
      %dma_start3A_739 = tpu.memref_slice %arg3[%select_n3A_720, %and3A_724, %dma_start3A_738] : memref<12500x8x64xf32, #tpu.memory_space<hbm>> -> memref<1x1x64xf32, #tpu.memory_space<hbm>>
      %dma_start3A_740 = tpu.memref_squeeze %dma_start3A_739 : memref<1x1x64xf32, #tpu.memory_space<hbm>> -> memref<64xf32, #tpu.memory_space<hbm>>
      tpu.enqueue_dma source(%dma_start3A_740 : memref<64xf32, #tpu.memory_space<hbm>>) target(%dma_start3A_737 : memref<64xf32, #tpu.memory_space<vmem>>) target_semaphore(%arg9 : memref<!tpu.dma_semaphore, #tpu.memory_space<semaphore_mem>>)
      %slice3A_741 = vector.extract_strided_slice %get3A_53 {offsets = [15], sizes = [1], strides = [1]} : vector<16xi32> to vector<1xi32>
      %squeeze3A_742 = vector.extract %slice3A_741[0] : i32 from vector<1xi32>
      %jit3A_743 = arith.constant 8 : i32
      %div3A_744 = arith.divsi %squeeze3A_742, %jit3A_743 : i32
      %sign3A_745 = arith.constant 0 : i32
      %sign3A_746 = arith.cmpi sgt, %squeeze3A_742, %sign3A_745 : i32
      %sign3A_747 = arith.extui %sign3A_746 : i1 to i32
      %sign3A_748 = arith.constant 0 : i32
      %sign3A_749 = arith.cmpi slt, %squeeze3A_742, %sign3A_748 : i32
      %sign3A_750 = arith.extui %sign3A_749 : i1 to i32
      %sign3A_751 = arith.subi %sign3A_747, %sign3A_750 : i32
      %sign3A_752 = arith.constant 0 : i32
      %sign3A_753 = arith.cmpi sgt, %jit3A_743, %sign3A_752 : i32
      %sign3A_754 = arith.extui %sign3A_753 : i1 to i32
      %sign3A_755 = arith.constant 0 : i32
      %sign3A_756 = arith.cmpi slt, %jit3A_743, %sign3A_755 : i32
      %sign3A_757 = arith.extui %sign3A_756 : i1 to i32
      %sign3A_758 = arith.subi %sign3A_754, %sign3A_757 : i32
      %ne3A_759 = arith.cmpi ne, %sign3A_751, %sign3A_758 : i32
      %rem3A_760 = arith.remsi %squeeze3A_742, %jit3A_743 : i32
      %ne3A_761 = arith.constant 0 : i32
      %ne3A_762 = arith.cmpi ne, %rem3A_760, %ne3A_761 : i32
      %and3A_763 = arith.andi %ne3A_759, %ne3A_762 : i1
      %sub3A_764 = arith.constant 1 : i32
      %sub3A_765 = arith.subi %div3A_744, %sub3A_764 : i32
      %select_n3A_766 = arith.select %and3A_763, %sub3A_765, %div3A_744 : i32
      %slice3A_767 = vector.extract_strided_slice %get3A_53 {offsets = [15], sizes = [1], strides = [1]} : vector<16xi32> to vector<1xi32>
      %squeeze3A_768 = vector.extract %slice3A_767[0] : i32 from vector<1xi32>
      %and3A_769 = arith.constant 7 : i32
      %and3A_770 = arith.andi %squeeze3A_768, %and3A_769 : i32
      %mul3A_771 = arith.constant 16 : i32
      %mul3A_772 = arith.muli %scan3A_49, %mul3A_771 : i32
      %add3A_773 = arith.constant 15 : i32
      %add3A_774 = arith.addi %mul3A_772, %add3A_773 : i32
      %dma_start3A_775 = arith.constant 0 : i32
      %dma_start3A_776 = tpu.memref_slice %arg7[%add3A_774, %dma_start3A_775] : memref<256x64xf32, #tpu.memory_space<vmem>> -> memref<1x64xf32, #tpu.memory_space<vmem>>
      %dma_start3A_777 = tpu.memref_squeeze %dma_start3A_776 : memref<1x64xf32, #tpu.memory_space<vmem>> -> memref<64xf32, #tpu.memory_space<vmem>>
      %dma_start3A_778 = arith.constant 0 : i32
      %dma_start3A_779 = tpu.memref_slice %arg3[%select_n3A_766, %and3A_770, %dma_start3A_778] : memref<12500x8x64xf32, #tpu.memory_space<hbm>> -> memref<1x1x64xf32, #tpu.memory_space<hbm>>
      %dma_start3A_780 = tpu.memref_squeeze %dma_start3A_779 : memref<1x1x64xf32, #tpu.memory_space<hbm>> -> memref<64xf32, #tpu.memory_space<hbm>>
      %dma_start3A_781 = arith.constant 0 : i32
      %dma_start3A_782 = tpu.memref_slice %arg7[%add3A_774, %dma_start3A_781] : memref<256x64xf32, #tpu.memory_space<vmem>> -> memref<1x64xf32, #tpu.memory_space<vmem>>
      %dma_start3A_783 = tpu.memref_squeeze %dma_start3A_782 : memref<1x64xf32, #tpu.memory_space<vmem>> -> memref<64xf32, #tpu.memory_space<vmem>>
      %dma_start3A_784 = arith.constant 0 : i32
      %dma_start3A_785 = tpu.memref_slice %arg3[%select_n3A_766, %and3A_770, %dma_start3A_784] : memref<12500x8x64xf32, #tpu.memory_space<hbm>> -> memref<1x1x64xf32, #tpu.memory_space<hbm>>
      %dma_start3A_786 = tpu.memref_squeeze %dma_start3A_785 : memref<1x1x64xf32, #tpu.memory_space<hbm>> -> memref<64xf32, #tpu.memory_space<hbm>>
      tpu.enqueue_dma source(%dma_start3A_786 : memref<64xf32, #tpu.memory_space<hbm>>) target(%dma_start3A_783 : memref<64xf32, #tpu.memory_space<vmem>>) target_semaphore(%arg9 : memref<!tpu.dma_semaphore, #tpu.memory_space<semaphore_mem>>)
    }
    %scan3A_37 = arith.constant 16 : i32
    "tpu.region"() ({
      %run_scoped3A = tpu.sem_alloc : memref<!tpu.dma_semaphore, #tpu.memory_space<semaphore_mem>>
      %dma_start3A = arith.constant 0 : i32
      %dma_start3A_49 = tpu.memref_slice %arg4[%mul3A_32, %dma_start3A] : memref<2048x64xf32, #tpu.memory_space<hbm>> -> memref<256x64xf32, #tpu.memory_space<hbm>>
      %dma_start3A_50 = arith.constant 0 : i32
      %dma_start3A_51 = tpu.memref_slice %arg4[%mul3A_32, %dma_start3A_50] : memref<2048x64xf32, #tpu.memory_space<hbm>> -> memref<256x64xf32, #tpu.memory_space<hbm>>
      tpu.enqueue_dma source(%dma_start3A_51 : memref<256x64xf32, #tpu.memory_space<hbm>>) target(%arg8 : memref<256x64xf32, #tpu.memory_space<vmem>>) target_semaphore(%run_scoped3A : memref<!tpu.dma_semaphore, #tpu.memory_space<semaphore_mem>>)
      %dma_wait3A_52 = arith.constant 0 : i32
      %dma_wait3A_53 = tpu.memref_slice %arg4[%mul3A_32, %dma_wait3A_52] : memref<2048x64xf32, #tpu.memory_space<hbm>> -> memref<256x64xf32, #tpu.memory_space<hbm>>
      %dma_wait3A_54 = arith.constant 0 : i32
      %dma_wait3A_55 = tpu.memref_slice %arg4[%mul3A_32, %dma_wait3A_54] : memref<2048x64xf32, #tpu.memory_space<hbm>> -> memref<256x64xf32, #tpu.memory_space<hbm>>
      tpu.wait_dma2 semaphore(%run_scoped3A : memref<!tpu.dma_semaphore, #tpu.memory_space<semaphore_mem>>) src(%dma_wait3A_55 : memref<256x64xf32, #tpu.memory_space<hbm>>) dst(%arg8 : memref<256x64xf32, #tpu.memory_space<vmem>>)
      tpu.yield
    }) : () -> ()
    %dma_wait3A = arith.constant 0 : i32
    %dma_wait3A_38 = arith.constant 0 : i32
    %dma_wait3A_39 = tpu.memref_slice %arg4[%dma_wait3A, %dma_wait3A_38] : memref<2048x64xf32, #tpu.memory_space<hbm>> -> memref<256x64xf32, #tpu.memory_space<hbm>>
    %dma_wait3A_40 = arith.constant 0 : i32
    %dma_wait3A_41 = arith.constant 0 : i32
    %dma_wait3A_42 = tpu.memref_slice %arg4[%dma_wait3A_40, %dma_wait3A_41] : memref<2048x64xf32, #tpu.memory_space<hbm>> -> memref<256x64xf32, #tpu.memory_space<hbm>>
    tpu.wait_dma2 semaphore(%arg9 : memref<!tpu.dma_semaphore, #tpu.memory_space<semaphore_mem>>) src(%dma_wait3A_42 : memref<256x64xf32, #tpu.memory_space<hbm>>) dst(%arg7 : memref<256x64xf32, #tpu.memory_space<vmem>>)
    %scan3A_43 = arith.constant 0 : i32
    %scan3A_44 = arith.constant 0 : i32
    %scan3A_45 = arith.constant 256 : i32
    %scan3A_46 = arith.addi %scan3A_44, %scan3A_45 : i32
    %scan3A_47 = arith.constant 1 : i32
    scf.for %scan3A_49 = %scan3A_44 to %scan3A_46 step %scan3A_47  : i32 {
      %get3A = arith.index_cast %scan3A_49 : i32 to index
      %get3A_50 = arith.constant 0 : index
      %get3A_51 = tpu.vector_load %arg7[%get3A, %get3A_50] {strides = array<i32>} : memref<256x64xf32, #tpu.memory_space<vmem>>, vector<1x16xf32>,
      %get3A_52 = vector.shape_cast %get3A_51 : vector<1x16xf32> to vector<16xf32>
      %get3A_53 = arith.index_cast %scan3A_49 : i32 to index
      %get3A_54 = arith.constant 0 : index
      %get3A_55 = tpu.vector_load %arg8[%get3A_53, %get3A_54] {strides = array<i32>} : memref<256x64xf32, #tpu.memory_space<vmem>>, vector<1x16xf32>,
      %get3A_56 = vector.shape_cast %get3A_55 : vector<1x16xf32> to vector<16xf32>
      %add3A_57 = arith.addf %get3A_52, %get3A_56 : vector<16xf32>
      %swap3A = arith.index_cast %scan3A_49 : i32 to index
      %swap3A_58 = arith.constant 0 : index
      %swap3A_59 = tpu.vector_load %arg7[%swap3A, %swap3A_58] {strides = array<i32>} : memref<256x64xf32, #tpu.memory_space<vmem>>, vector<1x16xf32>,
      %swap3A_60 = vector.shape_cast %swap3A_59 : vector<1x16xf32> to vector<16xf32>
      %swap3A_61 = vector.shape_cast %add3A_57 : vector<16xf32> to vector<1x16xf32>
      tpu.vector_store %arg7[%swap3A, %swap3A_58], %swap3A_61 {strides = array<i32>} : memref<256x64xf32, #tpu.memory_space<vmem>>, vector<1x16xf32>,
      %get3A_62 = arith.index_cast %scan3A_49 : i32 to index
      %get3A_63 = arith.constant 16 : index
      %get3A_64 = tpu.vector_load %arg7[%get3A_62, %get3A_63] {strides = array<i32>} : memref<256x64xf32, #tpu.memory_space<vmem>>, vector<1x16xf32>,
      %get3A_65 = vector.shape_cast %get3A_64 : vector<1x16xf32> to vector<16xf32>
      %get3A_66 = arith.index_cast %scan3A_49 : i32 to index
      %get3A_67 = arith.constant 16 : index
      %get3A_68 = tpu.vector_load %arg8[%get3A_66, %get3A_67] {strides = array<i32>} : memref<256x64xf32, #tpu.memory_space<vmem>>, vector<1x16xf32>,
      %get3A_69 = vector.shape_cast %get3A_68 : vector<1x16xf32> to vector<16xf32>
      %add3A_70 = arith.addf %get3A_65, %get3A_69 : vector<16xf32>
      %swap3A_71 = arith.index_cast %scan3A_49 : i32 to index
      %swap3A_72 = arith.constant 16 : index
      %swap3A_73 = tpu.vector_load %arg7[%swap3A_71, %swap3A_72] {strides = array<i32>} : memref<256x64xf32, #tpu.memory_space<vmem>>, vector<1x16xf32>,
      %swap3A_74 = vector.shape_cast %swap3A_73 : vector<1x16xf32> to vector<16xf32>
      %swap3A_75 = vector.shape_cast %add3A_70 : vector<16xf32> to vector<1x16xf32>
      tpu.vector_store %arg7[%swap3A_71, %swap3A_72], %swap3A_75 {strides = array<i32>} : memref<256x64xf32, #tpu.memory_space<vmem>>, vector<1x16xf32>,
      %get3A_76 = arith.index_cast %scan3A_49 : i32 to index
      %get3A_77 = arith.constant 32 : index
      %get3A_78 = tpu.vector_load %arg7[%get3A_76, %get3A_77] {strides = array<i32>} : memref<256x64xf32, #tpu.memory_space<vmem>>, vector<1x16xf32>,
      %get3A_79 = vector.shape_cast %get3A_78 : vector<1x16xf32> to vector<16xf32>
      %get3A_80 = arith.index_cast %scan3A_49 : i32 to index
      %get3A_81 = arith.constant 32 : index
      %get3A_82 = tpu.vector_load %arg8[%get3A_80, %get3A_81] {strides = array<i32>} : memref<256x64xf32, #tpu.memory_space<vmem>>, vector<1x16xf32>,
      %get3A_83 = vector.shape_cast %get3A_82 : vector<1x16xf32> to vector<16xf32>
      %add3A_84 = arith.addf %get3A_79, %get3A_83 : vector<16xf32>
      %swap3A_85 = arith.index_cast %scan3A_49 : i32 to index
      %swap3A_86 = arith.constant 32 : index
      %swap3A_87 = tpu.vector_load %arg7[%swap3A_85, %swap3A_86] {strides = array<i32>} : memref<256x64xf32, #tpu.memory_space<vmem>>, vector<1x16xf32>,
      %swap3A_88 = vector.shape_cast %swap3A_87 : vector<1x16xf32> to vector<16xf32>
      %swap3A_89 = vector.shape_cast %add3A_84 : vector<16xf32> to vector<1x16xf32>
      tpu.vector_store %arg7[%swap3A_85, %swap3A_86], %swap3A_89 {strides = array<i32>} : memref<256x64xf32, #tpu.memory_space<vmem>>, vector<1x16xf32>,
      %get3A_90 = arith.index_cast %scan3A_49 : i32 to index
      %get3A_91 = arith.constant 48 : index
      %get3A_92 = tpu.vector_load %arg7[%get3A_90, %get3A_91] {strides = array<i32>} : memref<256x64xf32, #tpu.memory_space<vmem>>, vector<1x16xf32>,
      %get3A_93 = vector.shape_cast %get3A_92 : vector<1x16xf32> to vector<16xf32>
      %get3A_94 = arith.index_cast %scan3A_49 : i32 to index
      %get3A_95 = arith.constant 48 : index
      %get3A_96 = tpu.vector_load %arg8[%get3A_94, %get3A_95] {strides = array<i32>} : memref<256x64xf32, #tpu.memory_space<vmem>>, vector<1x16xf32>,
      %get3A_97 = vector.shape_cast %get3A_96 : vector<1x16xf32> to vector<16xf32>
      %add3A_98 = arith.addf %get3A_93, %get3A_97 : vector<16xf32>
      %swap3A_99 = arith.index_cast %scan3A_49 : i32 to index
      %swap3A_100 = arith.constant 48 : index
      %swap3A_101 = tpu.vector_load %arg7[%swap3A_99, %swap3A_100] {strides = array<i32>} : memref<256x64xf32, #tpu.memory_space<vmem>>, vector<1x16xf32>,
      %swap3A_102 = vector.shape_cast %swap3A_101 : vector<1x16xf32> to vector<16xf32>
      %swap3A_103 = vector.shape_cast %add3A_98 : vector<16xf32> to vector<1x16xf32>
      tpu.vector_store %arg7[%swap3A_99, %swap3A_100], %swap3A_103 {strides = array<i32>} : memref<256x64xf32, #tpu.memory_space<vmem>>, vector<1x16xf32>,
    }
    %scan3A_48 = arith.constant 256 : i32
    "tpu.region"() ({
      %run_scoped3A = tpu.sem_alloc : memref<!tpu.dma_semaphore, #tpu.memory_space<semaphore_mem>>
      %dma_start3A = arith.constant 0 : i32
      %dma_start3A_49 = tpu.memref_slice %arg5[%select_n3A, %mul3A_32, %dma_start3A] : memref<4x2048x64xf32, #tpu.memory_space<hbm>> -> memref<1x256x64xf32, #tpu.memory_space<hbm>>
      %dma_start3A_50 = tpu.memref_squeeze %dma_start3A_49 : memref<1x256x64xf32, #tpu.memory_space<hbm>> -> memref<256x64xf32, #tpu.memory_space<hbm>>
      %dma_start3A_51 = arith.constant 0 : i32
      %dma_start3A_52 = tpu.memref_slice %arg5[%select_n3A, %mul3A_32, %dma_start3A_51] : memref<4x2048x64xf32, #tpu.memory_space<hbm>> -> memref<1x256x64xf32, #tpu.memory_space<hbm>>
      %dma_start3A_53 = tpu.memref_squeeze %dma_start3A_52 : memref<1x256x64xf32, #tpu.memory_space<hbm>> -> memref<256x64xf32, #tpu.memory_space<hbm>>
      tpu.enqueue_dma source(%arg7 : memref<256x64xf32, #tpu.memory_space<vmem>>) target(%dma_start3A_53 : memref<256x64xf32, #tpu.memory_space<hbm>>) target_semaphore(%run_scoped3A : memref<!tpu.dma_semaphore, #tpu.memory_space<semaphore_mem>>)
      %dma_wait3A_54 = arith.constant 0 : i32
      %dma_wait3A_55 = tpu.memref_slice %arg5[%select_n3A, %mul3A_32, %dma_wait3A_54] : memref<4x2048x64xf32, #tpu.memory_space<hbm>> -> memref<1x256x64xf32, #tpu.memory_space<hbm>>
      %dma_wait3A_56 = tpu.memref_squeeze %dma_wait3A_55 : memref<1x256x64xf32, #tpu.memory_space<hbm>> -> memref<256x64xf32, #tpu.memory_space<hbm>>
      %dma_wait3A_57 = arith.constant 0 : i32
      %dma_wait3A_58 = tpu.memref_slice %arg5[%select_n3A, %mul3A_32, %dma_wait3A_57] : memref<4x2048x64xf32, #tpu.memory_space<hbm>> -> memref<1x256x64xf32, #tpu.memory_space<hbm>>
      %dma_wait3A_59 = tpu.memref_squeeze %dma_wait3A_58 : memref<1x256x64xf32, #tpu.memory_space<hbm>> -> memref<256x64xf32, #tpu.memory_space<hbm>>
      tpu.wait_dma2 semaphore(%run_scoped3A : memref<!tpu.dma_semaphore, #tpu.memory_space<semaphore_mem>>) src(%arg7 : memref<256x64xf32, #tpu.memory_space<vmem>>) dst(%dma_wait3A_59 : memref<256x64xf32, #tpu.memory_space<hbm>>)
      tpu.yield
    }) : () -> ()
    return
  }
}

</mosaic_0001>

<sc_bundles>
// kernel: kernel.3.cloned.1.call-start
scs
__scs_entry_jumppad:
0x0: {  	(pc) =	sbr.rel $0x88, $3  }
0x1: {  	(tag) =	ssettag $0x0;
	lr =	simm.s32 $0x1  }
0x2: {  	[smem:$0x3F9E] =	sst lr;
	_ =	strace $0xD0000000  }
0x3: {  	_ = 	snop  }
0x4: {  	_ = 	snop  }
0x5: {  	_ = 	snop  }
0x6: {  	_ = 	snop  }
0x7: {  	_ = 	snop  }
__scs_overlays_trampoline_lowered:
0x8: {  	[smem:$0x3FAD] =	sst s0  }
0x9: {  	[smem:$0x3FAE] =	sst s1  }
0xa: {  	[smem:$0x3FAF] =	sst s2  }
0xb: {  	[smem:$0x3FB0] =	sst s3  }
0xc: {  	[smem:$0x3FB1] =	sst s4  }
0xd: {  	[smem:$0x3FB2] =	sst s5  }
0xe: {  	[smem:$0x3FB3] =	sst s6  }
0xf: {  	[smem:$0x3FB4] =	sst s7  }
0x10: {  	[smem:$0x3FB5] =	sst s8  }
0x11: {  	[smem:$0x3FB6] =	sst s9;
	s0 =	simm.s32 @!p0 $0x0  }
0x12: {  	s1 =	sld [smem:$0x3F9C];
	s0 =	simm.s32 @p0 $0x1  }
0x13: {  	[smem:$0x3FB7] =	sst s0;
	s0 =	simm.s32 @!p1 $0x0  }
0x14: {  	s2 =	sld [smem:$0x3F9B];
	s0 =	simm.s32 @p1 $0x1  }
0x15: {  	[smem:$0x3FB8] =	sst s0;
	s0 =	simm.s32 @!p2 $0x0  }
0x16: {  	s3 =	sld [smem:$0x3FDB];
	s0 =	simm.s32 @p2 $0x1  }
0x17: {  	s4 =	simm.s32 $0x1BF5;
	[smem:$0x3FBA] =	sst s0  }
0x18: {  	s0 =	sld [smem:$0x3F9D];
	_ =	swait.ge [sflag:s4], $0x0  }
0x19: {  	s7 =	sld [smem:$0x3F9E]  }
0x1a: {  	s8 =	sadd.s32 $0xFFFFE003, lr  }
0x1b: {  	s9 =	sadd.s32 $0xFFFFFEF7, lr;
	s5 =	simm.s32 $0xFFFFFFFF;
	p2 =	slt.u32 s8, $0xFFFFF086  }
0x1c: {  	p1 =	slt.u32 s9, $0xF7A;
	s5 =	simm.s32 @!p2 $0x0  }
0x1d: {  	s5 =	simm.s32 @p1 $0x1;
	p0 =	seq.s32 s7, s2  }
0x1e: {  	s7 =	smul.u32 @!p0 $0xF7A, s2;
	p2 =	seq.s32 @!p0 s5, $0x0  }
0x1f: {  	s9 =	smul.u32 $0xF7A, s1;
	s8 =	simm.s32 @!p0 $0x1BF5;
	p2 =	por !p2, p0  }
0x20: {  	[sflag:s8] =	ssyncset.s32 @!p0 $0xFFFFF086;
	s6 =	sadd.s32 @!p0 s3, s7;
	s7 =	simm.s32 @!p0 $0x108  }
0x21: {  	s3 =	sadd.s32 s3, s9;
	s6 =	sadd.s32 @!p0 $0x88, s6;
	s7 =	simm.s32 @p2 $0x1082  }
0x22: {  	[simem:s7], [sflag:s8] =	dma.local @!p0 [hbm:s6], $0xF7A  }
0x23: {  	s9 =	sor.u32 $0xD0000000, s2;
	s6 =	simm.s32 $0x108;
	_ =	swait.ge @!p0 [sflag:s8], $0x0  }
0x24: {  	s3 =	sadd.s32 $0x88, s3;
	s6 =	simm.s32 @!p1 $0x1082;
	[sflag:s4] =	ssyncset.s32 $0xFFFFF086  }
0x25: {  	[simem:s6], [sflag:s4] =	dma.local [hbm:s3], $0xF7A  }
0x26: {  	[smem:$0x3F9E] =	sst s1;
	(tag) =	ssettag s2;
	_ =	strace s9  }
0x27: {  	s1 =	sld [smem:$0x3FAE]  }
0x28: {  	s2 =	sld [smem:$0x3FAF]  }
0x29: {  	s4 =	sld [smem:$0x3FB1]  }
0x2a: {  	p0 =	seq.s32 s5, $0x0;
	s5 =	sld [smem:$0x3FB2]  }
0x2b: {  	s6 =	sld [smem:$0x3FB3]  }
0x2c: {  	s7 =	sld [smem:$0x3FB4]  }
0x2d: {  	s3 =	simm.s32 $0x108;
	s8 =	sld [smem:$0x3FB5]  }
0x2e: {  	s3 =	simm.s32 @!p0 $0x1082;
	s9 =	sld [smem:$0x3FB6]  }
0x2f: {  	lr =	sadd.s32 s0, s3;
	s0 =	sld [smem:$0x3FAD]  }
0x30: {  	s3 =	sld [smem:$0x3FB0]  }
0x31: {  	[smem:$0x3FB9] =	sst s10  }
0x32: {  	s10 =	sld [smem:$0x3FB7];
	_ =	sdelay $0x3  }
0x33: {  	p0 =	seq.s32 s10, $0x1;
	s10 =	sld [smem:$0x3FB9];
	_ =	sdelay $0x3  }
0x34: {  	[smem:$0x3FB9] =	sst s10  }
0x35: {  	s10 =	sld [smem:$0x3FB8];
	_ =	sdelay $0x3  }
0x36: {  	p1 =	seq.s32 s10, $0x1;
	s10 =	sld [smem:$0x3FB9];
	_ =	sdelay $0x3  }
0x37: {  	[smem:$0x3FB9] =	sst s10  }
0x38: {  	s10 =	sld [smem:$0x3FBA]  }
0x39: {  	_ = 	snop;
	(pc) =	sbr.ind lr, $3  }
0x3a: {  	_ = 	snop  }
0x3b: {  	_ = 	snop  }
0x3c: {  	p2 =	seq.s32 s10, $0x1;
	s10 =	sld [smem:$0x3FB9]  }
0x3d: {  	_ =	shalt  }
0x3e: {  	_ =	shalt  }
0x3f: {  	_ =	shalt  }
0x40: {  	_ =	shalt  }
0x41: {  	_ =	shalt  }
0x42: {  	_ =	shalt  }
0x43: {  	_ =	shalt  }
0x44: {  	_ =	shalt  }
0x45: {  	_ =	shalt  }
0x46: {  	_ =	shalt  }
0x47: {  	_ =	shalt  }
0x48: {  	_ =	shalt  }
0x49: {  	_ =	shalt  }
0x4a: {  	_ =	shalt  }
0x4b: {  	_ =	shalt  }
0x4c: {  	_ =	shalt  }
0x4d: {  	_ =	shalt  }
0x4e: {  	_ =	shalt  }
0x4f: {  	_ =	shalt  }
0x50: {  	_ =	shalt  }
0x51: {  	_ =	shalt  }
0x52: {  	_ =	shalt  }
0x53: {  	_ =	shalt  }
0x54: {  	_ =	shalt  }
0x55: {  	_ =	shalt  }
0x56: {  	_ =	shalt  }
0x57: {  	_ =	shalt  }
0x58: {  	_ =	shalt  }
0x59: {  	_ =	shalt  }
0x5a: {  	_ =	shalt  }
0x5b: {  	_ =	shalt  }
0x5c: {  	_ =	shalt  }
0x5d: {  	_ =	shalt  }
0x5e: {  	_ =	shalt  }
0x5f: {  	_ =	shalt  }
0x60: {  	_ =	shalt  }
0x61: {  	_ =	shalt  }
0x62: {  	_ =	shalt  }
0x63: {  	_ =	shalt  }
0x64: {  	_ =	shalt  }
0x65: {  	_ =	shalt  }
0x66: {  	_ =	shalt  }
0x67: {  	_ =	shalt  }
0x68: {  	_ =	shalt  }
0x69: {  	_ =	shalt  }
0x6a: {  	_ =	shalt  }
0x6b: {  	_ =	shalt  }
0x6c: {  	_ =	shalt  }
0x6d: {  	_ =	shalt  }
0x6e: {  	_ =	shalt  }
0x6f: {  	_ =	shalt  }
0x70: {  	_ =	shalt  }
0x71: {  	_ =	shalt  }
0x72: {  	_ =	shalt  }
0x73: {  	_ =	shalt  }
0x74: {  	_ =	shalt  }
0x75: {  	_ =	shalt  }
0x76: {  	_ =	shalt  }
0x77: {  	_ =	shalt  }
0x78: {  	_ =	shalt  }
0x79: {  	_ =	shalt  }
0x7a: {  	_ =	shalt  }
0x7b: {  	_ =	shalt  }
0x7c: {  	_ =	shalt  }
0x7d: {  	_ =	shalt  }
0x7e: {  	_ =	shalt  }
0x7f: {  	_ =	shalt  }
0x80: {  	_ =	shalt  }
0x81: {  	_ =	shalt  }
0x82: {  	_ =	shalt  }
0x83: {  	_ =	shalt  }
0x84: {  	_ =	shalt  }
0x85: {  	_ =	shalt  }
0x86: {  	_ =	shalt  }
0x87: {  	_ =	shalt  }
.Lfunc_end0:
.L_simem_size_0:
called_computation_lowered:
.L_overlay_start_0:
0x88: {  	s2 =	sld [smem:$0x3FD9]  }
0x89: {  	s3 =	sld [smem:$0x3FFE];
	_ =	sdelay $0x1  }
0x8a: {  	s1 =	srdreg.scid  }
0x8b: {  	s0 =	sand.u32 $0x1, s1  }
0x8c: {  	s17 =	sshll.u32 s0, $0xA;
	s2 =	sadd.s32 s3, s2  }
0x8d: {  	s2 =	sadd.s32 s2, s17  }
0x8e: {  	[smem:$0x3FC5] =	sst s2  }
0x8f: {  	_ = 	snop  }
0x90: {  	s2 =	sld [smem:$0x3FC9]  }
0x91: {  	s18 =	sld [smem:$0x3FD0];
	(tm) =	ssettm $0x1  }
0x92: {  	s4 =	sld [smem:$0x3FFB];
	_ =	sdelay $0x3  }
0x93: {  	_ =	strace s4  }
0x94: {  	s4 =	sld [smem:$0x3FFC];
	_ =	sdelay $0x3  }
0x95: {  	_ =	strace s4  }
0x96: {  	s4 =	sld [smem:$0x3FFD];
	_ =	sdelay $0x3  }
0x97: {  	_ =	strace s4  }
0x98: {  	_ =	strace $0x8FFFFFFF  }
0x99: {  	s19 =	sld [smem:$0x3FDB];
	_ =	sdelay $0x1  }
0x9a: {  	s5 =	simm.s32 $_scs_section_size  }
0x9b: {  	s6 =	simm.s32 $_size__tile_overlayer_lowered;
	s7 =	simm.s32 $_tile_overlayer_lowered  }
0x9c: {  	s22 =	simm.s32 $0x1BFF;
	s21 =	sshll.u32 s7, $0x1;
	s4 =	sadd.s32 s5, s19  }
0x9d: {  	s8 =	simm.s32 $0x0;
	s20 =	sshll.u32 s6, $0x1;
	s6 =	sadd.s32 s21, s4  }
0x9e: {  	[timem:s8], [sflag:s22] =	dma.local [hbm:s6], s20  }
0x9f: {  	_ =	swait.ge [sflag:s22], s20  }
0xa0: {  	s5 =	ssub.s32 $0x0, s20;
	[sflag:s22] =	ssyncset.done $0x0  }
0xa1: {  	[sflag:s22] =	ssyncadd.s32 s5;
	_ =	sdelay $0x1  }
0xa2: {  	s23 =	simm.s32 $0x1B8B  }
0xa3: {  	_ =	swait.ge [sflag:s23], $0x1  }
0xa4: {  	[sflag:s23] =	ssyncset.done $0x0  }
0xa5: {  	s25 =	simm.s32 $0x1B8E;
	s24 =	sld [smem:$0x3FFE];
	[sflag:s23] =	ssyncadd.s32 $0xFFFFFFFF  }
0xa6: {  	s26 =	simm.s32 $execute0_lowered;
	[smem:$0x3FD2] =	sst s25  }
0xa7: {  	s6 =	sshll.u32 s26, $0x1;
	_ =	strace $0x80000046;
	[dreg:$0x1] =	wrdreg $0xFFFFFFFF  }
0xa8: {  	s28 =	simm.s32 $_size_execute0_lowered;
	s4 =	sadd.s32 s4, s6;
	[dreg:$0x0] =	wrdreg $0x0  }
0xa9: {  	s6 =	sshll.u32 s28, $0x1;
	[dreg:$0x2] =	wrdreg s4  }
0xaa: {  	[dreg:$0x3] =	wrdreg s6  }
0xab: {  	[dreg:$0x4] =	wrdreg $0xC0  }
0xac: {  	_ =	task [dreg:s8], $0x5FFFF  }
0xad: {  	[dreg:$0x1] =	wrdreg $0xFFFFFFFF  }
0xae: {  	[dreg:$0x0] =	wrdreg $0x60  }
0xaf: {  	[dreg:$0x2] =	wrdreg s2  }
0xb0: {  	[dreg:$0x3] =	wrdreg s24  }
0xb1: {  	[dreg:$0x4] =	wrdreg s18  }
0xb2: {  	[dreg:$0x5] =	wrdreg $0x9  }
0xb3: {  	_ =	task.clear_ibuf [dreg:s8], $0x6FFFF;
	_ =	strace $0x90000046  }
0xb4: {  	s29 =	simm.s32 $0x9;
	_ =	strace $0x80000048  }
0xb5: {  	_ =	swait.ge [sflag:s29], $0x1  }
0xb6: {  	[sflag:s29] =	ssyncadd.s32 $0xFFFFFFFF  }
0xb7: {  	_ =	strace $0x90000048  }
0xb8: {  	_ =	sfence  }
0xb9: {  	s30 =	sld [smem:$0x0];
	_ =	sdelay $0x2  }
0xba: {  	s31 =	sshll.u32 s1, $0xD;
	s1 =	sshrl.u32 s1, $0x2  }
0xbb: {  	s3 =	sand.u32 $0x4000, s31;
	s1 =	sadd.s32 s1, s30  }
0xbc: {  	s0 =	sor.u32 s3, s0;
	s1 =	sshll.u32 s1, $0x11  }
0xbd: {  	s0 =	sor.u32 s1, s0  }
0xbe: {  	s0 =	sadd.s32 $0x8F2B, s0  }
0xbf: {  	[sflag:s0] =	ssyncadd.remote.s32 $0x1  }
0xc0: {  	_ =	sfence.sel $0xFFFF  }
0xc1: {  	[dreg:$0x0] =	wrdreg $0xFFFFFFFF;
	(pc) =	sbr.abs _section_cstart, $3  }
0xc2: {  	[dreg:$0x1] =	wrdreg $0xFFFFFFFF  }
0xc3: {  	_ =	task.clear_ibuf [dreg:s8], $0x2FFFF;
	_ =	strace $0x9FFFFFFF  }
0xc4: {  	(tm) =	ssettm $0x7FFFFFFF  }
0xc5: {  	_ =	shalt  }
tec
execute0_lowered:
.L_overlay_start_1:
0x0: {  	(tag) =	ssettag $0x1  }
0x1: {  	s4 =	rddreg [dreg:$0x0]  }
0x2: {  	s5 =	rddreg [dreg:$0x1]  }
0x3: {  	s6 =	rddreg [dreg:$0x2]  }
0x4: {  	s0 =	rddreg [dreg:$0x3];
	s2 =	simm.s32 $0x0;
	s1 =	stileid.u32  }
0x5: {  	s7 =	srdreg.scid;
	s12 =	simm.s32 $0x8100;
	s13 =	simm.s32 $0x100  }
0x6: {  	s14 =	simm.s32 $0x0;
	[smem:$0x7FF] =	sst s2;
	s3 =	sadd.s32 $0x400, s5  }
0x7: {  	s8 =	sshrl.u32 s1, $0x2;
	s7 =	sand.u32 $0x1, s7;
	s11 =	sshll.u32 s1, $0x1  }
0x8: {  	_ =	strace $0x80000047;
	s9 =	sshll.u32 s8, $0xF;
	s10 =	ssub.s32 $0x2, s7  }
0x9: {  	s11 =	sand.u32 $0x6, s11;
	s29 =	sshll.u32 s8, $0x4;
	s8 =	simm.s32 $0x80  }
0xa: {  	s9 =	sadd.s32 s9, s5;
	s26 =	sshrl.u32 s10, $0x1;
	s28 =	sor.u32 s7, s11  }
0xb: {  	s4 =	sadd.s32 s4, s29;
	s11 =	simm.s32 $0x1;
	s5 =	sshll.u32 s28, $0x7  }
0xc: {  	s10 =	ssub.s32 s10, s26;
	s30 =	sshll.u32 s28, $0xC;
	s4 =	sadd.s32 s5, s4  }
0xd: {  	s5 =	sadd.s32 s6, s30;
	s31 =	sadd.s32 s30, s9;
	s7 =	smax.u32 s10, $0x1  }
0xe: {  	s9 =	simm.s32 $0x200;
	s10 =	simm.s32 $0x2;
	s6 =	sadd.s32 $0x186E00, s31  }
.LBB2_1:
0xf: {  	[tilespmem:s2], [sflag:$0x2] =	stream.strided.gather [hbm4b:s4+s8], $0x100, s9, s8, $0x38;
	[tilespmem:$0x10100] =	vst v63  }
0x10: {  	_ =	swait.ge [sflag:s10], $0x100  }
0x11: {  	[sflag:s10] =	ssyncset.done $0x0  }
0x12: {  	s15 =	simm.s32 $0x0;
	s16 =	simm.s32 $0x0;
	[sflag:s10] =	ssyncadd.s32 $0xFFFFFF00  }
.LBB2_2:
0x13: {  	v0 =	vld [tilespmem:s15+$0x0];
	_ =	sdelay $0x4  }
0x14: {  	(v2sf) =	vpush v0, $0x0;
	_ =	sdelay $0x1  }
0x15: {  	(v2sf) =	vpush v0, $0x1;
	_ =	sdelay $0xc  }
0x16: {  	s17 =	spop (v2sf)  }
0x17: {  	s18 =	sand.u32 $0x7, s17;
	s19 =	sshra.s32 s17, $0x1F  }
0x18: {  	(v2sf) =	vpush v0, $0x2;
	p0 =	slt.s32 s17, $0x1;
	s30 =	spop (v2sf);
	p1 =	sne.s32 s18, $0x0  }
0x19: {  	s28 =	sshrl.u32 s19, $0x1D;
	s19 =	simm.s32 $0x1;
	s31 =	sand.u32 $0x7, s30  }
0x1a: {  	s20 =	sshra.s32 s30, $0x1F;
	p0 =	por !p0, !p1;
	s18 =	sadd.s32 s28, s17  }
0x1b: {  	s17 =	sshll.u32 s17, $0x7;
	p1 =	slt.s32 s30, $0x1;
	p0 =	por !p0, !p0  }
0x1c: {  	(v2sf) =	vpush v0, $0x3;
	p2 =	sne.s32 s31, $0x0;
	s18 =	sshrl.u32 s18, $0x3;
	s19 =	simm.s32 @!p0 $0x0  }
0x1d: {  	s21 =	sshrl.u32 s20, $0x1D;
	s20 =	simm.s32 $0x1;
	s18 =	ssub.s32 s18, s19  }
0x1e: {  	s17 =	sand.u32 $0x380, s17;
	p0 =	por !p1, !p2;
	s18 =	sshll.u32 s18, $0xA  }
0x1f: {  	s19 =	sadd.s32 s21, s30;
	p0 =	por !p0, !p0;
	s18 =	sor.u32 s17, s18  }
0x20: {  	s19 =	sshrl.u32 s19, $0x3;
	s17 =	sshra.s32 s16, $0x2;
	s18 =	sshrl.u32 s18, $0x3  }
0x21: {  	s20 =	simm.s32 @!p0 $0x0;
	s29 =	sadd.s32 $0x100, s17;
	s18 =	sadd.s32 s3, s18  }
0x22: {  	[tilespmem:s29], [sflag:$0x1] =	stream.linear.gather [hbm4b:s18+s2], $0x80, $0x38;
	[tilespmem:$0x10100] =	vst v63  }
0x23: {  	s19 =	ssub.s32 s19, s20;
	s18 =	sshll.u32 s30, $0x7  }
0x24: {  	s19 =	sshll.u32 s19, $0xA;
	s18 =	sand.u32 $0x380, s18  }
0x25: {  	s18 =	sor.u32 s18, s19  }
0x26: {  	s20 =	simm.s32 $0x1;
	s18 =	sshrl.u32 s18, $0x3  }
0x27: {  	s22 =	sadd.s32 $0x180, s17;
	s18 =	sadd.s32 s3, s18;
	s23 =	spop (v2sf)  }
0x28: {  	[tilespmem:s22], [sflag:$0x1] =	stream.linear.gather [hbm4b:s18+s2], $0x80, $0x38;
	[tilespmem:$0x10100] =	vst v63  }
0x29: {  	s28 =	sadd.s32 $0x200, s17;
	(v2sf) =	vpush v0, $0x4;
	s24 =	sand.u32 $0x7, s23;
	s25 =	sshra.s32 s23, $0x1F  }
0x2a: {  	p3 =	slt.s32 s23, $0x1;
	s18 =	sshll.u32 s23, $0x7;
	p4 =	sne.s32 s24, $0x0  }
0x2b: {  	s29 =	spop (v2sf);
	s26 =	sshrl.u32 s25, $0x1D;
	p0 =	por !p3, !p4  }
0x2c: {  	s18 =	sand.u32 $0x380, s18;
	s19 =	sadd.s32 s26, s23;
	p0 =	por !p0, !p0  }
0x2d: {  	(v2sf) =	vpush v0, $0x5;
	s30 =	sand.u32 $0x7, s29;
	s19 =	sshrl.u32 s19, $0x3;
	s20 =	simm.s32 @!p0 $0x0  }
0x2e: {  	p5 =	slt.s32 s29, $0x1;
	p6 =	sne.s32 s30, $0x0;
	s19 =	ssub.s32 s19, s20  }
0x2f: {  	s31 =	sshra.s32 s29, $0x1F;
	p0 =	por !p5, !p6;
	s19 =	sshll.u32 s19, $0xA  }
0x30: {  	s21 =	sshrl.u32 s31, $0x1D;
	p0 =	por !p0, !p0;
	s18 =	sor.u32 s18, s19  }
0x31: {  	s20 =	simm.s32 $0x1;
	s19 =	sadd.s32 s21, s29;
	s18 =	sshrl.u32 s18, $0x3  }
0x32: {  	s20 =	simm.s32 @!p0 $0x0;
	s19 =	sshrl.u32 s19, $0x3;
	s18 =	sadd.s32 s3, s18  }
0x33: {  	[tilespmem:s28], [sflag:$0x1] =	stream.linear.gather [hbm4b:s18+s2], $0x80, $0x38;
	[tilespmem:$0x10100] =	vst v63  }
0x34: {  	s19 =	ssub.s32 s19, s20;
	s18 =	sshll.u32 s29, $0x7  }
0x35: {  	s19 =	sshll.u32 s19, $0xA;
	s18 =	sand.u32 $0x380, s18  }
0x36: {  	s18 =	sor.u32 s18, s19  }
0x37: {  	s22 =	sadd.s32 $0x280, s17;
	s18 =	sshrl.u32 s18, $0x3  }
0x38: {  	s20 =	simm.s32 $0x1;
	s18 =	sadd.s32 s3, s18;
	s23 =	spop (v2sf)  }
0x39: {  	[tilespmem:s22], [sflag:$0x1] =	stream.linear.gather [hbm4b:s18+s2], $0x80, $0x38;
	[tilespmem:$0x10100] =	vst v63  }
0x3a: {  	s28 =	sadd.s32 $0x300, s17;
	(v2sf) =	vpush v0, $0x6;
	s24 =	sand.u32 $0x7, s23;
	s25 =	sshra.s32 s23, $0x1F  }
0x3b: {  	p1 =	slt.s32 s23, $0x1;
	s18 =	sshll.u32 s23, $0x7;
	p2 =	sne.s32 s24, $0x0  }
0x3c: {  	s29 =	spop (v2sf);
	s26 =	sshrl.u32 s25, $0x1D;
	p0 =	por !p1, !p2  }
0x3d: {  	s18 =	sand.u32 $0x380, s18;
	s19 =	sadd.s32 s26, s23;
	p0 =	por !p0, !p0  }
0x3e: {  	(v2sf) =	vpush v0, $0x7;
	s30 =	sand.u32 $0x7, s29;
	s19 =	sshrl.u32 s19, $0x3;
	s20 =	simm.s32 @!p0 $0x0  }
0x3f: {  	p3 =	slt.s32 s29, $0x1;
	p4 =	sne.s32 s30, $0x0;
	s19 =	ssub.s32 s19, s20  }
0x40: {  	s31 =	sshra.s32 s29, $0x1F;
	p0 =	por !p3, !p4;
	s19 =	sshll.u32 s19, $0xA  }
0x41: {  	s21 =	sshrl.u32 s31, $0x1D;
	p0 =	por !p0, !p0;
	s18 =	sor.u32 s18, s19  }
0x42: {  	s20 =	simm.s32 $0x1;
	s19 =	sadd.s32 s21, s29;
	s18 =	sshrl.u32 s18, $0x3  }
0x43: {  	s20 =	simm.s32 @!p0 $0x0;
	s19 =	sshrl.u32 s19, $0x3;
	s18 =	sadd.s32 s3, s18  }
0x44: {  	[tilespmem:s28], [sflag:$0x1] =	stream.linear.gather [hbm4b:s18+s2], $0x80, $0x38;
	[tilespmem:$0x10100] =	vst v63  }
0x45: {  	s19 =	ssub.s32 s19, s20;
	s18 =	sshll.u32 s29, $0x7  }
0x46: {  	s19 =	sshll.u32 s19, $0xA;
	s18 =	sand.u32 $0x380, s18  }
0x47: {  	s18 =	sor.u32 s18, s19  }
0x48: {  	s22 =	sadd.s32 $0x380, s17;
	s18 =	sshrl.u32 s18, $0x3  }
0x49: {  	s20 =	simm.s32 $0x1;
	s18 =	sadd.s32 s3, s18;
	s23 =	spop (v2sf)  }
0x4a: {  	[tilespmem:s22], [sflag:$0x1] =	stream.linear.gather [hbm4b:s18+s2], $0x80, $0x38;
	[tilespmem:$0x10100] =	vst v63  }
0x4b: {  	s28 =	sadd.s32 $0x400, s17;
	(v2sf) =	vpush v0, $0x8;
	s24 =	sand.u32 $0x7, s23;
	s25 =	sshra.s32 s23, $0x1F  }
0x4c: {  	p5 =	slt.s32 s23, $0x1;
	s18 =	sshll.u32 s23, $0x7;
	p6 =	sne.s32 s24, $0x0  }
0x4d: {  	s29 =	spop (v2sf);
	s26 =	sshrl.u32 s25, $0x1D;
	p0 =	por !p5, !p6  }
0x4e: {  	s18 =	sand.u32 $0x380, s18;
	s19 =	sadd.s32 s26, s23;
	p0 =	por !p0, !p0  }
0x4f: {  	(v2sf) =	vpush v0, $0x9;
	s30 =	sand.u32 $0x7, s29;
	s19 =	sshrl.u32 s19, $0x3;
	s20 =	simm.s32 @!p0 $0x0  }
0x50: {  	p1 =	slt.s32 s29, $0x1;
	p2 =	sne.s32 s30, $0x0;
	s19 =	ssub.s32 s19, s20  }
0x51: {  	s31 =	sshra.s32 s29, $0x1F;
	p0 =	por !p1, !p2;
	s19 =	sshll.u32 s19, $0xA  }
0x52: {  	s21 =	sshrl.u32 s31, $0x1D;
	p0 =	por !p0, !p0;
	s18 =	sor.u32 s18, s19  }
0x53: {  	s20 =	simm.s32 $0x1;
	s19 =	sadd.s32 s21, s29;
	s18 =	sshrl.u32 s18, $0x3  }
0x54: {  	s20 =	simm.s32 @!p0 $0x0;
	s19 =	sshrl.u32 s19, $0x3;
	s18 =	sadd.s32 s3, s18  }
0x55: {  	[tilespmem:s28], [sflag:$0x1] =	stream.linear.gather [hbm4b:s18+s2], $0x80, $0x38;
	[tilespmem:$0x10100] =	vst v63  }
0x56: {  	s19 =	ssub.s32 s19, s20;
	s18 =	sshll.u32 s29, $0x7  }
0x57: {  	s19 =	sshll.u32 s19, $0xA;
	s18 =	sand.u32 $0x380, s18  }
0x58: {  	s18 =	sor.u32 s18, s19  }
0x59: {  	s22 =	sadd.s32 $0x480, s17;
	s18 =	sshrl.u32 s18, $0x3  }
0x5a: {  	s20 =	simm.s32 $0x1;
	s18 =	sadd.s32 s3, s18;
	s23 =	spop (v2sf)  }
0x5b: {  	[tilespmem:s22], [sflag:$0x1] =	stream.linear.gather [hbm4b:s18+s2], $0x80, $0x38;
	[tilespmem:$0x10100] =	vst v63  }
0x5c: {  	s28 =	sadd.s32 $0x500, s17;
	(v2sf) =	vpush v0, $0xA;
	s24 =	sand.u32 $0x7, s23;
	s25 =	sshra.s32 s23, $0x1F  }
0x5d: {  	p3 =	slt.s32 s23, $0x1;
	s18 =	sshll.u32 s23, $0x7;
	p4 =	sne.s32 s24, $0x0  }
0x5e: {  	s29 =	spop (v2sf);
	s26 =	sshrl.u32 s25, $0x1D;
	p0 =	por !p3, !p4  }
0x5f: {  	s18 =	sand.u32 $0x380, s18;
	s19 =	sadd.s32 s26, s23;
	p0 =	por !p0, !p0  }
0x60: {  	(v2sf) =	vpush v0, $0xB;
	s30 =	sand.u32 $0x7, s29;
	s19 =	sshrl.u32 s19, $0x3;
	s20 =	simm.s32 @!p0 $0x0  }
0x61: {  	p5 =	slt.s32 s29, $0x1;
	p6 =	sne.s32 s30, $0x0;
	s19 =	ssub.s32 s19, s20  }
0x62: {  	s31 =	sshra.s32 s29, $0x1F;
	p0 =	por !p5, !p6;
	s19 =	sshll.u32 s19, $0xA  }
0x63: {  	s21 =	sshrl.u32 s31, $0x1D;
	p0 =	por !p0, !p0;
	s18 =	sor.u32 s18, s19  }
0x64: {  	s20 =	simm.s32 $0x1;
	s19 =	sadd.s32 s21, s29;
	s18 =	sshrl.u32 s18, $0x3  }
0x65: {  	s20 =	simm.s32 @!p0 $0x0;
	s19 =	sshrl.u32 s19, $0x3;
	s18 =	sadd.s32 s3, s18  }
0x66: {  	[tilespmem:s28], [sflag:$0x1] =	stream.linear.gather [hbm4b:s18+s2], $0x80, $0x38;
	[tilespmem:$0x10100] =	vst v63  }
0x67: {  	s19 =	ssub.s32 s19, s20;
	s18 =	sshll.u32 s29, $0x7  }
0x68: {  	s19 =	sshll.u32 s19, $0xA;
	s18 =	sand.u32 $0x380, s18  }
0x69: {  	s18 =	sor.u32 s18, s19  }
0x6a: {  	s22 =	sadd.s32 $0x580, s17;
	s18 =	sshrl.u32 s18, $0x3  }
0x6b: {  	s20 =	simm.s32 $0x1;
	s18 =	sadd.s32 s3, s18;
	s23 =	spop (v2sf)  }
0x6c: {  	[tilespmem:s22], [sflag:$0x1] =	stream.linear.gather [hbm4b:s18+s2], $0x80, $0x38;
	[tilespmem:$0x10100] =	vst v63  }
0x6d: {  	s28 =	sadd.s32 $0x600, s17;
	(v2sf) =	vpush v0, $0xC;
	s24 =	sand.u32 $0x7, s23;
	s25 =	sshra.s32 s23, $0x1F  }
0x6e: {  	p1 =	slt.s32 s23, $0x1;
	s18 =	sshll.u32 s23, $0x7;
	p2 =	sne.s32 s24, $0x0  }
0x6f: {  	s29 =	spop (v2sf);
	s26 =	sshrl.u32 s25, $0x1D;
	p0 =	por !p1, !p2  }
0x70: {  	s18 =	sand.u32 $0x380, s18;
	s19 =	sadd.s32 s26, s23;
	p0 =	por !p0, !p0  }
0x71: {  	(v2sf) =	vpush v0, $0xD;
	s30 =	sand.u32 $0x7, s29;
	s19 =	sshrl.u32 s19, $0x3;
	s20 =	simm.s32 @!p0 $0x0  }
0x72: {  	p3 =	slt.s32 s29, $0x1;
	p4 =	sne.s32 s30, $0x0;
	s19 =	ssub.s32 s19, s20  }
0x73: {  	s31 =	sshra.s32 s29, $0x1F;
	p0 =	por !p3, !p4;
	s19 =	sshll.u32 s19, $0xA  }
0x74: {  	s21 =	sshrl.u32 s31, $0x1D;
	p0 =	por !p0, !p0;
	s18 =	sor.u32 s18, s19  }
0x75: {  	s20 =	simm.s32 $0x1;
	s19 =	sadd.s32 s21, s29;
	s18 =	sshrl.u32 s18, $0x3  }
0x76: {  	s20 =	simm.s32 @!p0 $0x0;
	s19 =	sshrl.u32 s19, $0x3;
	s18 =	sadd.s32 s3, s18  }
0x77: {  	[tilespmem:s28], [sflag:$0x1] =	stream.linear.gather [hbm4b:s18+s2], $0x80, $0x38;
	[tilespmem:$0x10100] =	vst v63  }
0x78: {  	s19 =	ssub.s32 s19, s20;
	s18 =	sshll.u32 s29, $0x7  }
0x79: {  	s19 =	sshll.u32 s19, $0xA;
	s18 =	sand.u32 $0x380, s18  }
0x7a: {  	s18 =	sor.u32 s18, s19  }
0x7b: {  	s22 =	sadd.s32 $0x680, s17;
	s18 =	sshrl.u32 s18, $0x3  }
0x7c: {  	s20 =	simm.s32 $0x1;
	s18 =	sadd.s32 s3, s18;
	s23 =	spop (v2sf)  }
0x7d: {  	[tilespmem:s22], [sflag:$0x1] =	stream.linear.gather [hbm4b:s18+s2], $0x80, $0x38;
	[tilespmem:$0x10100] =	vst v63  }
0x7e: {  	s28 =	sadd.s32 $0x700, s17;
	(v2sf) =	vpush v0, $0xE;
	s24 =	sand.u32 $0x7, s23;
	s25 =	sshra.s32 s23, $0x1F  }
0x7f: {  	p5 =	slt.s32 s23, $0x1;
	s18 =	sshll.u32 s23, $0x7;
	p6 =	sne.s32 s24, $0x0  }
0x80: {  	s29 =	spop (v2sf);
	s26 =	sshrl.u32 s25, $0x1D;
	p0 =	por !p5, !p6  }
0x81: {  	s18 =	sand.u32 $0x380, s18;
	s19 =	sadd.s32 s26, s23;
	p0 =	por !p0, !p0  }
0x82: {  	(v2sf) =	vpush v0, $0xF;
	s30 =	sand.u32 $0x7, s29;
	s19 =	sshrl.u32 s19, $0x3;
	s20 =	simm.s32 @!p0 $0x0  }
0x83: {  	p1 =	slt.s32 s29, $0x1;
	p2 =	sne.s32 s30, $0x0;
	s19 =	ssub.s32 s19, s20  }
0x84: {  	s31 =	sshra.s32 s29, $0x1F;
	p0 =	por !p1, !p2;
	s19 =	sshll.u32 s19, $0xA  }
0x85: {  	s20 =	sshrl.u32 s31, $0x1D;
	p0 =	por !p0, !p0;
	s18 =	sor.u32 s18, s19  }
0x86: {  	s19 =	sadd.s32 s20, s29;
	s20 =	simm.s32 $0x1;
	s18 =	sshrl.u32 s18, $0x3  }
0x87: {  	s19 =	sshrl.u32 s19, $0x3;
	s20 =	simm.s32 @!p0 $0x0;
	s18 =	sadd.s32 s3, s18  }
0x88: {  	[tilespmem:s28], [sflag:$0x1] =	stream.linear.gather [hbm4b:s18+s2], $0x80, $0x38;
	[tilespmem:$0x10100] =	vst v63  }
0x89: {  	s19 =	ssub.s32 s19, s20;
	s18 =	sshll.u32 s29, $0x7  }
0x8a: {  	s19 =	sshll.u32 s19, $0xA;
	s18 =	sand.u32 $0x380, s18  }
0x8b: {  	s18 =	sor.u32 s18, s19  }
0x8c: {  	s22 =	sadd.s32 $0x780, s17;
	s18 =	sshrl.u32 s18, $0x3  }
0x8d: {  	s26 =	sadd.s32 $0x800, s17;
	s21 =	spop (v2sf);
	s18 =	sadd.s32 s3, s18  }
0x8e: {  	[tilespmem:s22], [sflag:$0x1] =	stream.linear.gather [hbm4b:s18+s2], $0x80, $0x38;
	[tilespmem:$0x10100] =	vst v63  }
0x8f: {  	s20 =	simm.s32 $0x1;
	s23 =	sand.u32 $0x7, s21;
	s24 =	sshra.s32 s21, $0x1F  }
0x90: {  	p3 =	slt.s32 s21, $0x1;
	s19 =	sshll.u32 s21, $0x7;
	p4 =	sne.s32 s23, $0x0  }
0x91: {  	s28 =	spop (v2sf);
	s25 =	sshrl.u32 s24, $0x1D;
	p0 =	por !p3, !p4  }
0x92: {  	s19 =	sand.u32 $0x380, s19;
	s18 =	sadd.s32 s25, s21;
	p0 =	por !p0, !p0  }
0x93: {  	s29 =	sand.u32 $0x7, s28;
	s18 =	sshrl.u32 s18, $0x3;
	s20 =	simm.s32 @!p0 $0x0  }
0x94: {  	p5 =	slt.s32 s28, $0x1;
	p6 =	sne.s32 s29, $0x0;
	s18 =	ssub.s32 s18, s20  }
0x95: {  	s30 =	sshra.s32 s28, $0x1F;
	p0 =	por !p5, !p6;
	s18 =	sshll.u32 s18, $0xA  }
0x96: {  	s31 =	sshrl.u32 s30, $0x1D;
	p0 =	por !p0, !p0;
	s18 =	sor.u32 s19, s18  }
0x97: {  	s20 =	simm.s32 $0x1;
	s19 =	sadd.s32 s31, s28;
	s18 =	sshrl.u32 s18, $0x3  }
0x98: {  	s20 =	simm.s32 @!p0 $0x0;
	s19 =	sshrl.u32 s19, $0x3;
	s18 =	sadd.s32 s3, s18  }
0x99: {  	[tilespmem:s26], [sflag:$0x1] =	stream.linear.gather [hbm4b:s18+s2], $0x80, $0x38;
	[tilespmem:$0x10100] =	vst v63  }
0x9a: {  	p0 =	sne.s32 s16, $0x1E000;
	s19 =	ssub.s32 s19, s20;
	s18 =	sshll.u32 s28, $0x7  }
.Ltmp0:
0x9b: {  	s19 =	sshll.u32 s19, $0xA;
	s18 =	sand.u32 $0x380, s18;
	(pc) =	sbr.rel @p0 .LBB2_2-.Ltmp0, $4  }
0x9c: {  	s18 =	sor.u32 s18, s19  }
0x9d: {  	s15 =	sadd.s32 $0x10, s15;
	s18 =	sshrl.u32 s18, $0x3  }
0x9e: {  	s17 =	sadd.s32 $0x880, s17;
	s16 =	sadd.s32 $0x2000, s16;
	s18 =	sadd.s32 s3, s18  }
0x9f: {  	[tilespmem:s17], [sflag:$0x1] =	stream.linear.gather [hbm4b:s18+s2], $0x80, $0x38;
	[tilespmem:$0x10100] =	vst v63  }
0xa0: {  	s15 =	simm.s32 $0x0  }
0xa1: {  	[tilespmem:s12], [sflag:$0x2] =	stream.linear.gather [hbm4b:s5+s15], $0x8000, $0x38;
	[tilespmem:$0x10100] =	vst v63  }
0xa2: {  	_ =	swait.ge [sflag:s10], $0x8000  }
0xa3: {  	[sflag:s10] =	ssyncset.done $0x0  }
0xa4: {  	[sflag:s10] =	ssyncadd.s32 $0xFFFF8000  }
0xa5: {  	_ =	swait.ge [sflag:s11], $0x8000  }
0xa6: {  	[sflag:s11] =	ssyncset.done $0x0  }
0xa7: {  	s15 =	simm.s32 $0x0;
	[sflag:s11] =	ssyncadd.s32 $0xFFFF8000  }
0xa8: {  	v5 =	vld [tilespmem:s15+$0x8100]  }
0xa9: {  	v6 =	vld [tilespmem:s15+$0x8110]  }
0xaa: {  	v1 =	vld [tilespmem:s15+$0x8120]  }
0xab: {  	v0 =	vld [tilespmem:s15+$0x8130]  }
0xac: {  	v2 =	vld [tilespmem:s15+$0x100]  }
0xad: {  	v4 =	vld [tilespmem:s15+$0x110]  }
0xae: {  	s16 =	simm.s32 $0x200;
	v3 =	vld [tilespmem:s15+$0x120]  }
.LBB2_4:
0xaf: {  	s17 =	sshra.s32 s16, $0x2;
	p0 =	sne.s32 s16, $0x1FE00;
	v7 =	vld [tilespmem:s15+$0x130];
	v8 =	vmov v1  }
0xb0: {  	v9 =	vld [tilespmem:s17+$0x8100];
	v10 =	vmov v0  }
0xb1: {  	v11 =	vld [tilespmem:s17+$0x8110];
	v2 =	vadd.f32 v5, v2  }
.Ltmp1:
0xb2: {  	v1 =	vld [tilespmem:s17+$0x8120];
	v4 =	vadd.f32 v6, v4;
	(pc) =	sbr.rel @p0 .LBB2_4-.Ltmp1, $4  }
0xb3: {  	v0 =	vld [tilespmem:s17+$0x8130];
	[tilespmem:s15+$0x100] =	vst v2;
	v3 =	vadd.f32 v8, v3  }
0xb4: {  	v2 =	vld [tilespmem:s17+$0x100];
	[tilespmem:s15+$0x110] =	vst v4;
	v7 =	vadd.f32 v10, v7  }
0xb5: {  	v4 =	vld [tilespmem:s17+$0x110];
	[tilespmem:s15+$0x120] =	vst v3;
	v5 =	vmov v9  }
0xb6: {  	s16 =	sadd.s32 $0x200, s16;
	v3 =	vld [tilespmem:s17+$0x120];
	[tilespmem:s15+$0x130] =	vst v7;
	v6 =	vmov v11;
	s15 =	smov.u32 s17  }
0xb7: {  	v7 =	vld [tilespmem:s15+$0x130];
	_ =	sdelay $0x1  }
0xb8: {  	v2 =	vadd.f32 v5, v2  }
0xb9: {  	v4 =	vadd.f32 v6, v4  }
0xba: {  	[tilespmem:s15+$0x100] =	vst v2;
	v1 =	vadd.f32 v1, v3  }
0xbb: {  	s14 =	sadd.s32 $0x1, s14;
	[tilespmem:s15+$0x110] =	vst v4;
	v0 =	vadd.f32 v0, v7  }
0xbc: {  	p0 =	sne.s32 s14, s7;
	[tilespmem:s15+$0x120] =	vst v1  }
.Ltmp2:
0xbd: {  	[tilespmem:s15+$0x130] =	vst v0;
	(pc) =	sbr.rel @p0 .LBB2_1-.Ltmp2, $4  }
0xbe: {  	[hbm4b:s6+s2] =	stream.linear.scatter [tilespmem:s13], [sflag:$0x2], $0x8000, $0x38;
	[tilespmem:$0x10100] =	vst v63  }
0xbf: {  	_ =	swait.ge [sflag:s10], $0x8000  }
0xc0: {  	[sflag:s10] =	ssyncset.done $0x0  }
0xc1: {  	[sflag:s10] =	ssyncadd.s32 $0xFFFF8000  }
0xc2: {  	_ =	sfence.sel $0x180000  }
0xc3: {  	[bflag:$0x0] =	sbarrier.arrive $0xFFFF  }
0xc4: {  	p0 =	sne.s32 s1, $0x0;
	_ =	strace $0x90000047  }
0xc5: {  	s0 =	sadd.s32 @!p0 $0x100000, s0;
	[bflag:$0x2] =	sbarrier.arrive $0xFFFF  }
0xc6: {  	[sflag:s0] =	ssyncadd.tile.s32 @!p0 $0x1;
	_ =	shalt  }
.Lfunc_end2:
_tile_overlayer_lowered:
.L_overlay_start_2:
0xc7: {  	(tag) =	ssettag $0x2  }
0xc8: {  	s0 =	rddreg [dreg:$0x0];
	s2 =	stileid.u32  }
0xc9: {  	s1 =	rddreg [dreg:$0x1];
	p0 =	sne.s32 s2, $0x0  }
0xca: {  	s3 =	rddreg [dreg:$0x2];
	[bflag:$0x3] =	sbarrier.arrive $0xFFFF;
	s2 =	simm.s32 @!p0 $0x1C02  }
0xcb: {  	[timem:s3], [sflag:s2] =	dma.local @!p0 [hbm:s0], s1  }
0xcc: {  	s0 =	simm.s32 @!p0 $0x2  }
0xcd: {  	_ =	swait.ge @!p0 [sflag:s0], s1  }
0xce: {  	s1 =	ssub.s32 @!p0 $0x0, s1;
	[sflag:s0] =	ssyncset.done @!p0 $0x0  }
0xcf: {  	[sflag:s0] =	ssyncadd.s32 @!p0 s1  }
0xd0: {  	[bflag:$0x3] =	sbarrier.arrive $0xFFFF  }
0xd1: {  	_ =	shalt  }

</sc_bundles>
